<compile_context>
chip_gen: v7x
topology: tpu7x:2x2x1
jax: 0.10.2.dev20260603
libtpu: 0.0.44.dev20260713+nightly
codegen_flags: <defaults>
</compile_context>

<pallas_src>
import functools

import jax
import jax.numpy as jnp
from jax import lax
from jax.experimental import pallas as pl
from jax.experimental.pallas import tpu as pltpu
from jax.experimental.pallas import tpu_sc as plsc

N = 10000
D = 128
E = 320000
F = 3

NC = 2
NS = 16
NW = NC * NS
HD = D // NC
CH = 128
EPT = E // NW
NCH = 80
EPT_PAD = NCH * CH
NBUF = 2
GSLACK = 1
SSLACK = 1
NPH = 2
PCH = NCH // NPH
N_ACC = 10240
ROWS_PT = N_ACC // NS


def _seg_body(x_hbm, up_hbm, out_hbm, src_v, dst_v, bufs, acc, gsems, ssems):
    cid = lax.axis_index("c")
    sid = lax.axis_index("s")
    wid = sid * NC + cid
    base = sid * ROWS_PT

    def fire_g(c, b):
        pltpu.async_copy(x_hbm.at[src_v.at[c]], bufs.at[b], gsems.at[b])

    def wait_g(b):
        pltpu.make_async_copy(x_hbm.at[pl.ds(0, CH)], bufs.at[b], gsems.at[b]).wait()

    def fire_s(c, b):
        pltpu.async_copy(bufs.at[b], acc.at[dst_v.at[c]], ssems.at[b], add=True)

    def wait_s(b):
        pltpu.make_async_copy(x_hbm.at[pl.ds(0, CH)], bufs.at[b], ssems.at[b]).wait()

    pltpu.sync_copy(x_hbm.at[pl.ds(base, ROWS_PT)], acc.at[pl.ds(base, ROWS_PT)])
    plsc.subcore_barrier()

    for p in range(NPH):
        pltpu.sync_copy(up_hbm.at[0, wid, pl.ds(p * PCH, PCH)], src_v)
        pltpu.sync_copy(up_hbm.at[1, wid, pl.ds(p * PCH, PCH)], dst_v)

        for c in range(GSLACK):
            fire_g(c, c % NBUF)

        def body(g, carry):
            for k in range(NBUF):
                c = g * NBUF + k

                @pl.when(c >= SSLACK)
                def _():
                    wait_s((c - SSLACK) % NBUF)

                @pl.when(c + GSLACK < PCH)
                def _():
                    fire_g(c + GSLACK, (c + GSLACK) % NBUF)

                wait_g(c % NBUF)
                fire_s(c, c % NBUF)
            return carry

        lax.fori_loop(0, PCH // NBUF, body, 0)
        for c in range(PCH - SSLACK, PCH):
            wait_s(c % NBUF)

    plsc.subcore_barrier()
    pltpu.sync_copy(acc.at[pl.ds(base, ROWS_PT)], out_hbm.at[cid, pl.ds(base, ROWS_PT)])


@functools.cache
def _seg_call():
    return pl.kernel(
        _seg_body,
        mesh=plsc.VectorSubcoreMesh(core_axis_name="c", subcore_axis_name="s",
                                    num_cores=NC, num_subcores=NS),
        out_type=jax.ShapeDtypeStruct((NC, N_ACC, D), jnp.float32),
        scratch_types=[
            pltpu.VMEM((PCH, CH), jnp.int32),
            pltpu.VMEM((PCH, CH), jnp.int32),
            pltpu.VMEM((NBUF, CH, D), jnp.float32),
            pltpu.VMEM_SHARED((N_ACC, D), jnp.float32),
            pltpu.SemaphoreType.DMA((NBUF,)),
            pltpu.SemaphoreType.DMA((NBUF,)),
        ],
    )


RB = 1000
GRID = N // RB


def _faces_body(fa0, fa1, fa2, xr, wmf, bmf, wf1, bf1, wf2, bf2, o_ref):
    acc = xr[...]
    for fr in (fa0, fa1, fa2):
        acc = acc + jnp.maximum(
            jnp.dot(fr[...], wmf[...], preferred_element_type=jnp.float32) + bmf[...], 0.0)
    t = jnp.maximum(jnp.dot(acc, wf1[...], preferred_element_type=jnp.float32) + bf1[...], 0.0)
    o_ref[...] = jnp.maximum(
        jnp.dot(t, wf2[...], preferred_element_type=jnp.float32) + bf2[...], 0.0)


def _comb_body(a0, a1, xr, hf, wu1, bu1, wu2, bu2, wc1a, wc1b, bc1, wc2, bc2,
               h_ref, sums_ref, s_scr):
    i = pl.program_id(0)
    ou = a0[...] + a1[...] - xr[...]
    t = jnp.maximum(jnp.dot(ou, wu1[...], preferred_element_type=jnp.float32) + bu1[...], 0.0)
    hu = jnp.maximum(jnp.dot(t, wu2[...], preferred_element_type=jnp.float32) + bu2[...], 0.0)
    p = jnp.maximum(
        jnp.dot(hu, wc1a[...], preferred_element_type=jnp.float32)
        + jnp.dot(hf[...], wc1b[...], preferred_element_type=jnp.float32) + bc1[...], 0.0)
    h = jnp.maximum(jnp.dot(p, wc2[...], preferred_element_type=jnp.float32) + bc2[...], 0.0)
    h_ref[...] = h

    @pl.when(i == 0)
    def _():
        s_scr[2:3] = jnp.sum(h, 0, keepdims=True) * (1.0 / RB)
        s_scr[0:2] = jnp.zeros((2, D), jnp.float32)

    c = s_scr[2:3]
    hc = h - c
    part = jnp.concatenate(
        [jnp.sum(hc, 0, keepdims=True), jnp.sum(hc * hc, 0, keepdims=True)], 0)
    s_scr[0:2] = s_scr[0:2] + part

    @pl.when(i == pl.num_programs(0) - 1)
    def _():
        sums_ref[...] = jnp.concatenate([s_scr[0:3], jnp.zeros((5, D), jnp.float32)], 0)


def _norm_body(h_ref, sums_ref, g_ref, b_ref, o_ref):
    s = sums_ref[...]
    dmu = s[0:1] * (1.0 / N)
    mu = s[2:3] + dmu
    var = s[1:2] * (1.0 / N) - dmu * dmu
    inv = lax.rsqrt(var + 1e-5)
    o_ref[...] = (h_ref[...] - mu) * (inv * g_ref[...]) + b_ref[...]


_row_spec = pl.BlockSpec((RB, D), lambda i: (i, 0))
_full_spec = lambda r, c: pl.BlockSpec((r, c), lambda i: (0, 0))

_faces_call = pl.pallas_call(
    _faces_body,
    grid=(GRID,),
    in_specs=[_row_spec, _row_spec, _row_spec, _row_spec,
              _full_spec(D, D), _full_spec(1, D),
              _full_spec(D, D), _full_spec(1, D),
              _full_spec(D, D), _full_spec(1, D)],
    out_specs=_row_spec,
    out_shape=jax.ShapeDtypeStruct((N, D), jnp.float32),
)

_comb_call = pl.pallas_call(
    _comb_body,
    grid=(GRID,),
    in_specs=[_row_spec, _row_spec, _row_spec, _row_spec,
              _full_spec(D, D), _full_spec(1, D),
              _full_spec(D, D), _full_spec(1, D),
              _full_spec(D, D), _full_spec(D, D), _full_spec(1, D),
              _full_spec(D, D), _full_spec(1, D)],
    out_specs=[_row_spec, _full_spec(8, D)],
    out_shape=[jax.ShapeDtypeStruct((N, D), jnp.float32),
               jax.ShapeDtypeStruct((8, D), jnp.float32)],
    scratch_shapes=[pltpu.VMEM((8, D), jnp.float32)],
)

_norm_call = pl.pallas_call(
    _norm_body,
    grid=(GRID,),
    in_specs=[_row_spec, _full_spec(8, D), _full_spec(1, D), _full_spec(1, D)],
    out_specs=_row_spec,
    out_shape=jax.ShapeDtypeStruct((N, D), jnp.float32),
)


def kernel(x, up_index, face_attr, W_mf, b_mf, W_u1, b_u1, W_u2, b_u2,
           W_f1, b_f1, W_f2, b_f2, W_c1, b_c1, W_c2, b_c2, gamma, beta):
    x_pad = jnp.zeros((N_ACC, D), jnp.float32).at[:N].set(x)
    up_pad = jnp.pad(up_index, ((0, 0), (0, NW * EPT_PAD - E)), constant_values=N)
    up_pad = up_pad.reshape(2, NW, NCH, CH)

    parts = _seg_call()(x_pad, up_pad)

    b = lambda v: v.reshape(1, D)
    h_fc = _faces_call(face_attr[:, 0], face_attr[:, 1], face_attr[:, 2], x,
                       W_mf, b(b_mf), W_f1, b(b_f1), W_f2, b(b_f2))
    h, sums = _comb_call(parts[0, :N], parts[1, :N], x, h_fc,
                         W_u1, b(b_u1), W_u2, b(b_u2),
                         W_c1[:D], W_c1[D:], b(b_c1), W_c2, b(b_c2))
    return _norm_call(h, sums, b(gamma), b(beta))

# --- scband reference (transcript-rebuilt; emitter-appended) ---
"""Pipeline reference for scband-sparse-sinconv-86947317940924 (READ-ONLY COPY).

The authoritative reference and input builder live on the scoring server;
editing this copy changes nothing except your own understanding.
"""

import jax, jax.numpy as jnp
import numpy as np

N = 10000
D = 128
E = 320000
F = 3


def setup_inputs(seed: int = 0) -> dict:
    key = jax.random.key(seed)
    ks = jax.random.split(key, 20)
    s = 1.0 / np.sqrt(D)
    s2 = 1.0 / np.sqrt(2 * D)
    inp = {}
    inp["x"] = jax.random.normal(ks[0], (N, D), dtype=jnp.float32)
    inp["up_index"] = jax.random.randint(ks[1], (2, E), 0, N, dtype=jnp.int32)
    inp["face_attr"] = jax.random.normal(ks[2], (N, F, D), dtype=jnp.float32)
    # msg_faces_nn: Linear(D, D) + ReLU
    inp["W_mf"] = jax.random.normal(ks[3], (D, D), dtype=jnp.float32) * s
    inp["b_mf"] = jnp.zeros((D,), dtype=jnp.float32)
    # update_up_nn: Linear->ReLU->Linear->ReLU
    inp["W_u1"] = jax.random.normal(ks[4], (D, D), dtype=jnp.float32) * s
    inp["b_u1"] = jnp.zeros((D,), dtype=jnp.float32)
    inp["W_u2"] = jax.random.normal(ks[5], (D, D), dtype=jnp.float32) * s
    inp["b_u2"] = jnp.zeros((D,), dtype=jnp.float32)
    # update_faces_nn: Linear->ReLU->Linear->ReLU
    inp["W_f1"] = jax.random.normal(ks[6], (D, D), dtype=jnp.float32) * s
    inp["b_f1"] = jnp.zeros((D,), dtype=jnp.float32)
    inp["W_f2"] = jax.random.normal(ks[7], (D, D), dtype=jnp.float32) * s
    inp["b_f2"] = jnp.zeros((D,), dtype=jnp.float32)
    # combine_nn: Linear(2D, D)->ReLU->Linear(D, D)->ReLU->BN(D)
    inp["W_c1"] = jax.random.normal(ks[8], (2 * D, D), dtype=jnp.float32) * s2
    inp["b_c1"] = jnp.zeros((D,), dtype=jnp.float32)
    inp["W_c2"] = jax.random.normal(ks[9], (D, D), dtype=jnp.float32) * s
    inp["b_c2"] = jnp.zeros((D,), dtype=jnp.float32)
    inp["gamma"] = jnp.ones((D,), dtype=jnp.float32)
    inp["beta"] = jnp.zeros((D,), dtype=jnp.float32)
    return inp


def reference(x, up_index, face_attr, W_mf, b_mf, W_u1, b_u1, W_u2, b_u2,
              W_f1, b_f1, W_f2, b_f2, W_c1, b_c1, W_c2, b_c2, gamma, beta):
    eps1 = 0.0
    eps2 = 0.0
    # --- up message passing (message_up returns up_x_j; sum-aggregate to dst) ---
    src = up_index[0]
    dst = up_index[1]
    msgs = jnp.take(x, src, axis=0)
    out_up = jax.ops.segment_sum(msgs, dst, num_segments=x.shape[0])
    # --- face message+aggregate: msg_faces_nn on flattened faces, sum over face dim ---
    fa = face_attr.reshape(face_attr.shape[0] * face_attr.shape[1], -1)
    fm = jax.nn.relu(fa @ W_mf + b_mf)
    out_faces = fm.reshape(face_attr.shape).sum(1)
    # --- GIN-style residual with eps ---
    out_up = out_up + (1.0 + eps1) * x
    out_faces = out_faces + (1.0 + eps2) * x
    # --- update nns ---
    h_up = jax.nn.relu(jax.nn.relu(out_up @ W_u1 + b_u1) @ W_u2 + b_u2)
    h_fc = jax.nn.relu(jax.nn.relu(out_faces @ W_f1 + b_f1) @ W_f2 + b_f2)
    # --- combine_nn: Linear->ReLU->Linear->ReLU->BatchNorm1d (train-mode stats) ---
    h = jnp.concatenate([h_up, h_fc], axis=-1)
    h = jax.nn.relu(h @ W_c1 + b_c1)
    h = jax.nn.relu(h @ W_c2 + b_c2)
    mu = h.mean(axis=0)
    var = ((h - mu) ** 2).mean(axis=0)
    out = (h - mu) / jnp.sqrt(var + 1e-5) * gamma + beta
    return out

if __name__ == "__main__":
    import jax
    _d = setup_inputs()
    print(jax.jit(kernel)(*tuple(_d.values())))

</pallas_src>

<mosaic_0001>
#map = affine_map<(d0, d1) -> (0, 0)>
#map1 = affine_map<(d0, d1) -> (0, 0, 0, 0)>
#map2 = affine_map<(d0, d1) -> (0, 0, 0)>
module attributes {stable_mosaic.version = 14 : i64} {
  func.func @_seg_body(%arg0: i32, %arg1: i32, %arg2: memref<10240x128xf32, #tpu.memory_space<hbm>>, %arg3: memref<2x32x80x128xi32, #tpu.memory_space<hbm>>, %arg4: memref<2x10240x128xf32, #tpu.memory_space<hbm>>, %arg5: memref<40x128xi32, #tpu.memory_space<vmem>>, %arg6: memref<40x128xi32, #tpu.memory_space<vmem>>, %arg7: memref<2x128x128xf32, #tpu.memory_space<vmem>>, %arg8: memref<10240x128xf32, #tpu.memory_space<vmem_shared>>, %arg9: memref<2x!tpu.dma_semaphore, #tpu.memory_space<semaphore_mem>>, %arg10: memref<2x!tpu.dma_semaphore, #tpu.memory_space<semaphore_mem>>) attributes {dimension_semantics = [#tpu.dimension_semantics<core_parallel>, #tpu.dimension_semantics<subcore_parallel>], iteration_bounds = array<i64: 2, 16>, scalar_prefetch = 0 : i64, scratch_operands = 6 : i64, tpu.core_type = #tpu.core_type<sc_vector_subcore>, window_params = [{transform_indices = #map}, {transform_indices = #map1}, {transform_indices = #map2}]} {
    %mul3A = arith.constant 2 : i32
    %mul3A_0 = arith.muli %arg1, %mul3A : i32
    %add3A = arith.addi %mul3A_0, %arg0 : i32
    %mul3A_1 = arith.constant 640 : i32
    %mul3A_2 = arith.muli %arg1, %mul3A_1 : i32
    "tpu.region"() ({
      %run_scoped3A_82 = tpu.sem_alloc : memref<!tpu.dma_semaphore, #tpu.memory_space<semaphore_mem>>
      %dma_start3A_83 = arith.constant 0 : i32
      %dma_start3A_84 = tpu.memref_slice %arg8[%mul3A_2, %dma_start3A_83] : memref<10240x128xf32, #tpu.memory_space<vmem_shared>> -> memref<640x128xf32, #tpu.memory_space<vmem_shared>>
      %dma_start3A_85 = arith.constant 0 : i32
      %dma_start3A_86 = tpu.memref_slice %arg2[%mul3A_2, %dma_start3A_85] : memref<10240x128xf32, #tpu.memory_space<hbm>> -> memref<640x128xf32, #tpu.memory_space<hbm>>
      tpu.enqueue_dma source(%dma_start3A_86 : memref<640x128xf32, #tpu.memory_space<hbm>>) target(%dma_start3A_84 : memref<640x128xf32, #tpu.memory_space<vmem_shared>>) target_semaphore(%run_scoped3A_82 : memref<!tpu.dma_semaphore, #tpu.memory_space<semaphore_mem>>)
      %dma_wait3A_87 = arith.constant 0 : i32
      %dma_wait3A_88 = tpu.memref_slice %arg8[%mul3A_2, %dma_wait3A_87] : memref<10240x128xf32, #tpu.memory_space<vmem_shared>> -> memref<640x128xf32, #tpu.memory_space<vmem_shared>>
      %dma_wait3A_89 = arith.constant 0 : i32
      %dma_wait3A_90 = tpu.memref_slice %arg2[%mul3A_2, %dma_wait3A_89] : memref<10240x128xf32, #tpu.memory_space<hbm>> -> memref<640x128xf32, #tpu.memory_space<hbm>>
      tpu.wait_dma2 semaphore(%run_scoped3A_82 : memref<!tpu.dma_semaphore, #tpu.memory_space<semaphore_mem>>) src(%dma_wait3A_90 : memref<640x128xf32, #tpu.memory_space<hbm>>) dst(%dma_wait3A_88 : memref<640x128xf32, #tpu.memory_space<vmem_shared>>)
      tpu.yield
    }) : () -> ()
    %barrier3A = arith.constant 0 : index
    tpu.barrier barrier_id(%barrier3A)
    %run_scoped3A = arith.constant 0 : i32
    "tpu.region"() ({
      %run_scoped3A_82 = tpu.sem_alloc : memref<!tpu.dma_semaphore, #tpu.memory_space<semaphore_mem>>
      %dma_start3A_83 = arith.constant 0 : i32
      %dma_start3A_84 = arith.constant 0 : i32
      %dma_start3A_85 = tpu.memref_slice %arg3[%run_scoped3A, %add3A, %dma_start3A_83, %dma_start3A_84] : memref<2x32x80x128xi32, #tpu.memory_space<hbm>> -> memref<1x1x40x128xi32, #tpu.memory_space<hbm>>
      %dma_start3A_86 = tpu.memref_squeeze %dma_start3A_85 : memref<1x1x40x128xi32, #tpu.memory_space<hbm>> -> memref<40x128xi32, #tpu.memory_space<hbm>>
      %dma_start3A_87 = arith.constant 0 : i32
      %dma_start3A_88 = arith.constant 0 : i32
      %dma_start3A_89 = tpu.memref_slice %arg3[%run_scoped3A, %add3A, %dma_start3A_87, %dma_start3A_88] : memref<2x32x80x128xi32, #tpu.memory_space<hbm>> -> memref<1x1x40x128xi32, #tpu.memory_space<hbm>>
      %dma_start3A_90 = tpu.memref_squeeze %dma_start3A_89 : memref<1x1x40x128xi32, #tpu.memory_space<hbm>> -> memref<40x128xi32, #tpu.memory_space<hbm>>
      tpu.enqueue_dma source(%dma_start3A_90 : memref<40x128xi32, #tpu.memory_space<hbm>>) target(%arg5 : memref<40x128xi32, #tpu.memory_space<vmem>>) target_semaphore(%run_scoped3A_82 : memref<!tpu.dma_semaphore, #tpu.memory_space<semaphore_mem>>)
      %dma_wait3A_91 = arith.constant 0 : i32
      %dma_wait3A_92 = arith.constant 0 : i32
      %dma_wait3A_93 = tpu.memref_slice %arg3[%run_scoped3A, %add3A, %dma_wait3A_91, %dma_wait3A_92] : memref<2x32x80x128xi32, #tpu.memory_space<hbm>> -> memref<1x1x40x128xi32, #tpu.memory_space<hbm>>
      %dma_wait3A_94 = tpu.memref_squeeze %dma_wait3A_93 : memref<1x1x40x128xi32, #tpu.memory_space<hbm>> -> memref<40x128xi32, #tpu.memory_space<hbm>>
      %dma_wait3A_95 = arith.constant 0 : i32
      %dma_wait3A_96 = arith.constant 0 : i32
      %dma_wait3A_97 = tpu.memref_slice %arg3[%run_scoped3A, %add3A, %dma_wait3A_95, %dma_wait3A_96] : memref<2x32x80x128xi32, #tpu.memory_space<hbm>> -> memref<1x1x40x128xi32, #tpu.memory_space<hbm>>
      %dma_wait3A_98 = tpu.memref_squeeze %dma_wait3A_97 : memref<1x1x40x128xi32, #tpu.memory_space<hbm>> -> memref<40x128xi32, #tpu.memory_space<hbm>>
      tpu.wait_dma2 semaphore(%run_scoped3A_82 : memref<!tpu.dma_semaphore, #tpu.memory_space<semaphore_mem>>) src(%dma_wait3A_98 : memref<40x128xi32, #tpu.memory_space<hbm>>) dst(%arg5 : memref<40x128xi32, #tpu.memory_space<vmem>>)
      tpu.yield
    }) : () -> ()
    %run_scoped3A_3 = arith.constant 1 : i32
    "tpu.region"() ({
      %run_scoped3A_82 = tpu.sem_alloc : memref<!tpu.dma_semaphore, #tpu.memory_space<semaphore_mem>>
      %dma_start3A_83 = arith.constant 0 : i32
      %dma_start3A_84 = arith.constant 0 : i32
      %dma_start3A_85 = tpu.memref_slice %arg3[%run_scoped3A_3, %add3A, %dma_start3A_83, %dma_start3A_84] : memref<2x32x80x128xi32, #tpu.memory_space<hbm>> -> memref<1x1x40x128xi32, #tpu.memory_space<hbm>>
      %dma_start3A_86 = tpu.memref_squeeze %dma_start3A_85 : memref<1x1x40x128xi32, #tpu.memory_space<hbm>> -> memref<40x128xi32, #tpu.memory_space<hbm>>
      %dma_start3A_87 = arith.constant 0 : i32
      %dma_start3A_88 = arith.constant 0 : i32
      %dma_start3A_89 = tpu.memref_slice %arg3[%run_scoped3A_3, %add3A, %dma_start3A_87, %dma_start3A_88] : memref<2x32x80x128xi32, #tpu.memory_space<hbm>> -> memref<1x1x40x128xi32, #tpu.memory_space<hbm>>
      %dma_start3A_90 = tpu.memref_squeeze %dma_start3A_89 : memref<1x1x40x128xi32, #tpu.memory_space<hbm>> -> memref<40x128xi32, #tpu.memory_space<hbm>>
      tpu.enqueue_dma source(%dma_start3A_90 : memref<40x128xi32, #tpu.memory_space<hbm>>) target(%arg6 : memref<40x128xi32, #tpu.memory_space<vmem>>) target_semaphore(%run_scoped3A_82 : memref<!tpu.dma_semaphore, #tpu.memory_space<semaphore_mem>>)
      %dma_wait3A_91 = arith.constant 0 : i32
      %dma_wait3A_92 = arith.constant 0 : i32
      %dma_wait3A_93 = tpu.memref_slice %arg3[%run_scoped3A_3, %add3A, %dma_wait3A_91, %dma_wait3A_92] : memref<2x32x80x128xi32, #tpu.memory_space<hbm>> -> memref<1x1x40x128xi32, #tpu.memory_space<hbm>>
      %dma_wait3A_94 = tpu.memref_squeeze %dma_wait3A_93 : memref<1x1x40x128xi32, #tpu.memory_space<hbm>> -> memref<40x128xi32, #tpu.memory_space<hbm>>
      %dma_wait3A_95 = arith.constant 0 : i32
      %dma_wait3A_96 = arith.constant 0 : i32
      %dma_wait3A_97 = tpu.memref_slice %arg3[%run_scoped3A_3, %add3A, %dma_wait3A_95, %dma_wait3A_96] : memref<2x32x80x128xi32, #tpu.memory_space<hbm>> -> memref<1x1x40x128xi32, #tpu.memory_space<hbm>>
      %dma_wait3A_98 = tpu.memref_squeeze %dma_wait3A_97 : memref<1x1x40x128xi32, #tpu.memory_space<hbm>> -> memref<40x128xi32, #tpu.memory_space<hbm>>
      tpu.wait_dma2 semaphore(%run_scoped3A_82 : memref<!tpu.dma_semaphore, #tpu.memory_space<semaphore_mem>>) src(%dma_wait3A_98 : memref<40x128xi32, #tpu.memory_space<hbm>>) dst(%arg6 : memref<40x128xi32, #tpu.memory_space<vmem>>)
      tpu.yield
    }) : () -> ()
    %dma_start3A = arith.constant 0 : i32
    %dma_start3A_4 = arith.constant 0 : i32
    %dma_start3A_5 = arith.constant 0 : i32
    %dma_start3A_6 = arith.constant 0 : i32
    %dma_start3A_7 = arith.constant 0 : i32
    %dma_start3A_8 = tpu.memref_slice %arg7[%dma_start3A_4, %dma_start3A_6, %dma_start3A_7] : memref<2x128x128xf32, #tpu.memory_space<vmem>> -> memref<1x128x128xf32, #tpu.memory_space<vmem>>
    %dma_start3A_9 = tpu.memref_squeeze %dma_start3A_8 : memref<1x128x128xf32, #tpu.memory_space<vmem>> -> memref<128x128xf32, #tpu.memory_space<vmem>>
    %dma_start3A_10 = arith.constant 0 : i32
    %dma_start3A_11 = tpu.memref_slice %arg5[%dma_start3A, %dma_start3A_10] : memref<40x128xi32, #tpu.memory_space<vmem>> -> memref<1x128xi32, #tpu.memory_space<vmem>>
    %dma_start3A_12 = tpu.memref_squeeze %dma_start3A_11 : memref<1x128xi32, #tpu.memory_space<vmem>> -> memref<128xi32, #tpu.memory_space<vmem>>
    %dma_start3A_13 = arith.constant 0 : i32
    %dma_start3A_14 = arith.constant 0 : i32
    %dma_start3A_15 = tpu.memref_slice %arg2[%dma_start3A_13, %dma_start3A_14] : memref<10240x128xf32, #tpu.memory_space<hbm>> -> memref<10240x128xf32, #tpu.memory_space<hbm>>
    %dma_start3A_16 = tpu.memref_slice %arg9[%dma_start3A_5] : memref<2x!tpu.dma_semaphore, #tpu.memory_space<semaphore_mem>> -> memref<1x!tpu.dma_semaphore, #tpu.memory_space<semaphore_mem>>
    %dma_start3A_17 = tpu.memref_squeeze %dma_start3A_16 : memref<1x!tpu.dma_semaphore, #tpu.memory_space<semaphore_mem>> -> memref<!tpu.dma_semaphore, #tpu.memory_space<semaphore_mem>>
    tpu.enqueue_indirect_dma source(%dma_start3A_15 : memref<10240x128xf32, #tpu.memory_space<hbm>>) target(%dma_start3A_9 : memref<128x128xf32, #tpu.memory_space<vmem>>) offsets(%dma_start3A_12 : memref<128xi32, #tpu.memory_space<vmem>>) semaphore(%dma_start3A_17 : memref<!tpu.dma_semaphore, #tpu.memory_space<semaphore_mem>>)
    %scan3A = arith.constant 0 : i32
    %scan3A_18 = arith.constant 0 : i32
    %scan3A_19 = arith.constant 20 : i32
    %scan3A_20 = arith.addi %scan3A_18, %scan3A_19 : i32
    %scan3A_21 = arith.constant 1 : i32
    scf.for %scan3A_82 = %scan3A_18 to %scan3A_20 step %scan3A_21  : i32 {
      %mul3A_83 = arith.constant 2 : i32
      %mul3A_84 = arith.muli %scan3A_82, %mul3A_83 : i32
      %add3A_85 = arith.constant 0 : i32
      %add3A_86 = arith.addi %mul3A_84, %add3A_85 : i32
      %ge3A = arith.constant 1 : i32
      %ge3A_87 = arith.cmpi sge, %add3A_86, %ge3A : i32
      %convert_element_type3A = arith.extui %ge3A_87 : i1 to i32
      %cond3A = arith.constant 0 : i32
      %cond3A_88 = arith.cmpi ne, %convert_element_type3A, %cond3A : i32
      scf.if %cond3A_88 {
        %sub3A = arith.constant 1 : i32
        %sub3A_225 = arith.subi %add3A_86, %sub3A : i32
        %jit3A_226 = arith.constant 2 : i32
        %eq3A_227 = arith.constant 0 : i32
        %eq3A_228 = arith.cmpi eq, %jit3A_226, %eq3A_227 : i32
        %jit3A_229 = arith.constant 1 : i32
        %select_n3A_230 = arith.select %eq3A_228, %jit3A_229, %jit3A_226 : i32
        %rem3A_231 = arith.remsi %sub3A_225, %select_n3A_230 : i32
        %ne3A_232 = arith.constant 0 : i32
        %ne3A_233 = arith.cmpi ne, %rem3A_231, %ne3A_232 : i32
        %lt3A_234 = arith.constant 0 : i32
        %lt3A_235 = arith.cmpi slt, %rem3A_231, %lt3A_234 : i32
        %lt3A_236 = arith.constant 0 : i32
        %lt3A_237 = arith.cmpi slt, %select_n3A_230, %lt3A_236 : i32
        %ne3A_238 = arith.xori %lt3A_235, %lt3A_237 : i1
        %and3A_239 = arith.andi %ne3A_238, %ne3A_233 : i1
        %add3A_240 = arith.addi %rem3A_231, %select_n3A_230 : i32
        %select_n3A_241 = arith.select %and3A_239, %add3A_240, %rem3A_231 : i32
        %dma_wait3A_242 = arith.constant 0 : i32
        %dma_wait3A_243 = arith.constant 0 : i32
        %dma_wait3A_244 = tpu.memref_slice %arg7[%select_n3A_241, %dma_wait3A_242, %dma_wait3A_243] : memref<2x128x128xf32, #tpu.memory_space<vmem>> -> memref<1x128x128xf32, #tpu.memory_space<vmem>>
        %dma_wait3A_245 = tpu.memref_squeeze %dma_wait3A_244 : memref<1x128x128xf32, #tpu.memory_space<vmem>> -> memref<128x128xf32, #tpu.memory_space<vmem>>
        %dma_wait3A_246 = arith.constant 0 : i32
        %dma_wait3A_247 = arith.constant 0 : i32
        %dma_wait3A_248 = tpu.memref_slice %arg2[%dma_wait3A_246, %dma_wait3A_247] : memref<10240x128xf32, #tpu.memory_space<hbm>> -> memref<128x128xf32, #tpu.memory_space<hbm>>
        %dma_wait3A_249 = tpu.memref_slice %arg10[%select_n3A_241] : memref<2x!tpu.dma_semaphore, #tpu.memory_space<semaphore_mem>> -> memref<1x!tpu.dma_semaphore, #tpu.memory_space<semaphore_mem>>
        %dma_wait3A_250 = tpu.memref_squeeze %dma_wait3A_249 : memref<1x!tpu.dma_semaphore, #tpu.memory_space<semaphore_mem>> -> memref<!tpu.dma_semaphore, #tpu.memory_space<semaphore_mem>>
        %dma_wait3A_251 = arith.constant 0 : i32
        %dma_wait3A_252 = arith.constant 0 : i32
        %dma_wait3A_253 = tpu.memref_slice %arg7[%select_n3A_241, %dma_wait3A_251, %dma_wait3A_252] : memref<2x128x128xf32, #tpu.memory_space<vmem>> -> memref<1x128x128xf32, #tpu.memory_space<vmem>>
        %dma_wait3A_254 = tpu.memref_squeeze %dma_wait3A_253 : memref<1x128x128xf32, #tpu.memory_space<vmem>> -> memref<128x128xf32, #tpu.memory_space<vmem>>
        %dma_wait3A_255 = arith.constant 0 : i32
        %dma_wait3A_256 = arith.constant 0 : i32
        %dma_wait3A_257 = tpu.memref_slice %arg2[%dma_wait3A_255, %dma_wait3A_256] : memref<10240x128xf32, #tpu.memory_space<hbm>> -> memref<128x128xf32, #tpu.memory_space<hbm>>
        tpu.wait_dma2 semaphore(%dma_wait3A_250 : memref<!tpu.dma_semaphore, #tpu.memory_space<semaphore_mem>>) src(%dma_wait3A_257 : memref<128x128xf32, #tpu.memory_space<hbm>>) dst(%dma_wait3A_254 : memref<128x128xf32, #tpu.memory_space<vmem>>)
      } else {
      }
      %add3A_89 = arith.constant 1 : i32
      %add3A_90 = arith.addi %add3A_86, %add3A_89 : i32
      %lt3A = arith.constant 40 : i32
      %lt3A_91 = arith.cmpi slt, %add3A_90, %lt3A : i32
      %convert_element_type3A_92 = arith.extui %lt3A_91 : i1 to i32
      %cond3A_93 = arith.constant 0 : i32
      %cond3A_94 = arith.cmpi ne, %convert_element_type3A_92, %cond3A_93 : i32
      scf.if %cond3A_94 {
        %add3A_225 = arith.constant 1 : i32
        %add3A_226 = arith.addi %add3A_86, %add3A_225 : i32
        %add3A_227 = arith.constant 1 : i32
        %add3A_228 = arith.addi %add3A_86, %add3A_227 : i32
        %jit3A_229 = arith.constant 2 : i32
        %eq3A_230 = arith.constant 0 : i32
        %eq3A_231 = arith.cmpi eq, %jit3A_229, %eq3A_230 : i32
        %jit3A_232 = arith.constant 1 : i32
        %select_n3A_233 = arith.select %eq3A_231, %jit3A_232, %jit3A_229 : i32
        %rem3A_234 = arith.remsi %add3A_228, %select_n3A_233 : i32
        %ne3A_235 = arith.constant 0 : i32
        %ne3A_236 = arith.cmpi ne, %rem3A_234, %ne3A_235 : i32
        %lt3A_237 = arith.constant 0 : i32
        %lt3A_238 = arith.cmpi slt, %rem3A_234, %lt3A_237 : i32
        %lt3A_239 = arith.constant 0 : i32
        %lt3A_240 = arith.cmpi slt, %select_n3A_233, %lt3A_239 : i32
        %ne3A_241 = arith.xori %lt3A_238, %lt3A_240 : i1
        %and3A_242 = arith.andi %ne3A_241, %ne3A_236 : i1
        %add3A_243 = arith.addi %rem3A_234, %select_n3A_233 : i32
        %select_n3A_244 = arith.select %and3A_242, %add3A_243, %rem3A_234 : i32
        %dma_start3A_245 = arith.constant 0 : i32
        %dma_start3A_246 = arith.constant 0 : i32
        %dma_start3A_247 = tpu.memref_slice %arg7[%select_n3A_244, %dma_start3A_245, %dma_start3A_246] : memref<2x128x128xf32, #tpu.memory_space<vmem>> -> memref<1x128x128xf32, #tpu.memory_space<vmem>>
        %dma_start3A_248 = tpu.memref_squeeze %dma_start3A_247 : memref<1x128x128xf32, #tpu.memory_space<vmem>> -> memref<128x128xf32, #tpu.memory_space<vmem>>
        %dma_start3A_249 = arith.constant 0 : i32
        %dma_start3A_250 = tpu.memref_slice %arg5[%add3A_226, %dma_start3A_249] : memref<40x128xi32, #tpu.memory_space<vmem>> -> memref<1x128xi32, #tpu.memory_space<vmem>>
        %dma_start3A_251 = tpu.memref_squeeze %dma_start3A_250 : memref<1x128xi32, #tpu.memory_space<vmem>> -> memref<128xi32, #tpu.memory_space<vmem>>
        %dma_start3A_252 = arith.constant 0 : i32
        %dma_start3A_253 = arith.constant 0 : i32
        %dma_start3A_254 = tpu.memref_slice %arg2[%dma_start3A_252, %dma_start3A_253] : memref<10240x128xf32, #tpu.memory_space<hbm>> -> memref<10240x128xf32, #tpu.memory_space<hbm>>
        %dma_start3A_255 = tpu.memref_slice %arg9[%select_n3A_244] : memref<2x!tpu.dma_semaphore, #tpu.memory_space<semaphore_mem>> -> memref<1x!tpu.dma_semaphore, #tpu.memory_space<semaphore_mem>>
        %dma_start3A_256 = tpu.memref_squeeze %dma_start3A_255 : memref<1x!tpu.dma_semaphore, #tpu.memory_space<semaphore_mem>> -> memref<!tpu.dma_semaphore, #tpu.memory_space<semaphore_mem>>
        tpu.enqueue_indirect_dma source(%dma_start3A_254 : memref<10240x128xf32, #tpu.memory_space<hbm>>) target(%dma_start3A_248 : memref<128x128xf32, #tpu.memory_space<vmem>>) offsets(%dma_start3A_251 : memref<128xi32, #tpu.memory_space<vmem>>) semaphore(%dma_start3A_256 : memref<!tpu.dma_semaphore, #tpu.memory_space<semaphore_mem>>)
      } else {
      }
      %jit3A = arith.constant 2 : i32
      %eq3A = arith.constant 0 : i32
      %eq3A_95 = arith.cmpi eq, %jit3A, %eq3A : i32
      %jit3A_96 = arith.constant 1 : i32
      %select_n3A = arith.select %eq3A_95, %jit3A_96, %jit3A : i32
      %rem3A = arith.remsi %add3A_86, %select_n3A : i32
      %ne3A = arith.constant 0 : i32
      %ne3A_97 = arith.cmpi ne, %rem3A, %ne3A : i32
      %lt3A_98 = arith.constant 0 : i32
      %lt3A_99 = arith.cmpi slt, %rem3A, %lt3A_98 : i32
      %lt3A_100 = arith.constant 0 : i32
      %lt3A_101 = arith.cmpi slt, %select_n3A, %lt3A_100 : i32
      %ne3A_102 = arith.xori %lt3A_99, %lt3A_101 : i1
      %and3A = arith.andi %ne3A_102, %ne3A_97 : i1
      %add3A_103 = arith.addi %rem3A, %select_n3A : i32
      %select_n3A_104 = arith.select %and3A, %add3A_103, %rem3A : i32
      %dma_wait3A_105 = arith.constant 0 : i32
      %dma_wait3A_106 = arith.constant 0 : i32
      %dma_wait3A_107 = tpu.memref_slice %arg7[%select_n3A_104, %dma_wait3A_105, %dma_wait3A_106] : memref<2x128x128xf32, #tpu.memory_space<vmem>> -> memref<1x128x128xf32, #tpu.memory_space<vmem>>
      %dma_wait3A_108 = tpu.memref_squeeze %dma_wait3A_107 : memref<1x128x128xf32, #tpu.memory_space<vmem>> -> memref<128x128xf32, #tpu.memory_space<vmem>>
      %dma_wait3A_109 = arith.constant 0 : i32
      %dma_wait3A_110 = arith.constant 0 : i32
      %dma_wait3A_111 = tpu.memref_slice %arg2[%dma_wait3A_109, %dma_wait3A_110] : memref<10240x128xf32, #tpu.memory_space<hbm>> -> memref<128x128xf32, #tpu.memory_space<hbm>>
      %dma_wait3A_112 = tpu.memref_slice %arg9[%select_n3A_104] : memref<2x!tpu.dma_semaphore, #tpu.memory_space<semaphore_mem>> -> memref<1x!tpu.dma_semaphore, #tpu.memory_space<semaphore_mem>>
      %dma_wait3A_113 = tpu.memref_squeeze %dma_wait3A_112 : memref<1x!tpu.dma_semaphore, #tpu.memory_space<semaphore_mem>> -> memref<!tpu.dma_semaphore, #tpu.memory_space<semaphore_mem>>
      %dma_wait3A_114 = arith.constant 0 : i32
      %dma_wait3A_115 = arith.constant 0 : i32
      %dma_wait3A_116 = tpu.memref_slice %arg7[%select_n3A_104, %dma_wait3A_114, %dma_wait3A_115] : memref<2x128x128xf32, #tpu.memory_space<vmem>> -> memref<1x128x128xf32, #tpu.memory_space<vmem>>
      %dma_wait3A_117 = tpu.memref_squeeze %dma_wait3A_116 : memref<1x128x128xf32, #tpu.memory_space<vmem>> -> memref<128x128xf32, #tpu.memory_space<vmem>>
      %dma_wait3A_118 = arith.constant 0 : i32
      %dma_wait3A_119 = arith.constant 0 : i32
      %dma_wait3A_120 = tpu.memref_slice %arg2[%dma_wait3A_118, %dma_wait3A_119] : memref<10240x128xf32, #tpu.memory_space<hbm>> -> memref<128x128xf32, #tpu.memory_space<hbm>>
      tpu.wait_dma2 semaphore(%dma_wait3A_113 : memref<!tpu.dma_semaphore, #tpu.memory_space<semaphore_mem>>) src(%dma_wait3A_120 : memref<128x128xf32, #tpu.memory_space<hbm>>) dst(%dma_wait3A_117 : memref<128x128xf32, #tpu.memory_space<vmem>>)
      %jit3A_121 = arith.constant 2 : i32
      %eq3A_122 = arith.constant 0 : i32
      %eq3A_123 = arith.cmpi eq, %jit3A_121, %eq3A_122 : i32
      %jit3A_124 = arith.constant 1 : i32
      %select_n3A_125 = arith.select %eq3A_123, %jit3A_124, %jit3A_121 : i32
      %rem3A_126 = arith.remsi %add3A_86, %select_n3A_125 : i32
      %ne3A_127 = arith.constant 0 : i32
      %ne3A_128 = arith.cmpi ne, %rem3A_126, %ne3A_127 : i32
      %lt3A_129 = arith.constant 0 : i32
      %lt3A_130 = arith.cmpi slt, %rem3A_126, %lt3A_129 : i32
      %lt3A_131 = arith.constant 0 : i32
      %lt3A_132 = arith.cmpi slt, %select_n3A_125, %lt3A_131 : i32
      %ne3A_133 = arith.xori %lt3A_130, %lt3A_132 : i1
      %and3A_134 = arith.andi %ne3A_133, %ne3A_128 : i1
      %add3A_135 = arith.addi %rem3A_126, %select_n3A_125 : i32
      %select_n3A_136 = arith.select %and3A_134, %add3A_135, %rem3A_126 : i32
      %dma_start3A_137 = arith.constant 0 : i32
      %dma_start3A_138 = arith.constant 0 : i32
      %dma_start3A_139 = tpu.memref_slice %arg7[%select_n3A_136, %dma_start3A_137, %dma_start3A_138] : memref<2x128x128xf32, #tpu.memory_space<vmem>> -> memref<1x128x128xf32, #tpu.memory_space<vmem>>
      %dma_start3A_140 = tpu.memref_squeeze %dma_start3A_139 : memref<1x128x128xf32, #tpu.memory_space<vmem>> -> memref<128x128xf32, #tpu.memory_space<vmem>>
      %dma_start3A_141 = arith.constant 0 : i32
      %dma_start3A_142 = tpu.memref_slice %arg6[%add3A_86, %dma_start3A_141] : memref<40x128xi32, #tpu.memory_space<vmem>> -> memref<1x128xi32, #tpu.memory_space<vmem>>
      %dma_start3A_143 = tpu.memref_squeeze %dma_start3A_142 : memref<1x128xi32, #tpu.memory_space<vmem>> -> memref<128xi32, #tpu.memory_space<vmem>>
      %dma_start3A_144 = arith.constant 0 : i32
      %dma_start3A_145 = arith.constant 0 : i32
      %dma_start3A_146 = tpu.memref_slice %arg8[%dma_start3A_144, %dma_start3A_145] : memref<10240x128xf32, #tpu.memory_space<vmem_shared>> -> memref<10240x128xf32, #tpu.memory_space<vmem_shared>>
      %dma_start3A_147 = tpu.memref_slice %arg10[%select_n3A_136] : memref<2x!tpu.dma_semaphore, #tpu.memory_space<semaphore_mem>> -> memref<1x!tpu.dma_semaphore, #tpu.memory_space<semaphore_mem>>
      %dma_start3A_148 = tpu.memref_squeeze %dma_start3A_147 : memref<1x!tpu.dma_semaphore, #tpu.memory_space<semaphore_mem>> -> memref<!tpu.dma_semaphore, #tpu.memory_space<semaphore_mem>>
      tpu.enqueue_indirect_dma source(%dma_start3A_140 : memref<128x128xf32, #tpu.memory_space<vmem>>) target(%dma_start3A_146 : memref<10240x128xf32, #tpu.memory_space<vmem_shared>>) offsets(%dma_start3A_143 : memref<128xi32, #tpu.memory_space<vmem>>) semaphore(%dma_start3A_148 : memref<!tpu.dma_semaphore, #tpu.memory_space<semaphore_mem>>) {add = true}
      %mul3A_149 = arith.constant 2 : i32
      %mul3A_150 = arith.muli %scan3A_82, %mul3A_149 : i32
      %add3A_151 = arith.constant 1 : i32
      %add3A_152 = arith.addi %mul3A_150, %add3A_151 : i32
      %ge3A_153 = arith.constant 1 : i32
      %ge3A_154 = arith.cmpi sge, %add3A_152, %ge3A_153 : i32
      %convert_element_type3A_155 = arith.extui %ge3A_154 : i1 to i32
      %cond3A_156 = arith.constant 0 : i32
      %cond3A_157 = arith.cmpi ne, %convert_element_type3A_155, %cond3A_156 : i32
      scf.if %cond3A_157 {
        %sub3A = arith.constant 1 : i32
        %sub3A_225 = arith.subi %add3A_152, %sub3A : i32
        %jit3A_226 = arith.constant 2 : i32
        %eq3A_227 = arith.constant 0 : i32
        %eq3A_228 = arith.cmpi eq, %jit3A_226, %eq3A_227 : i32
        %jit3A_229 = arith.constant 1 : i32
        %select_n3A_230 = arith.select %eq3A_228, %jit3A_229, %jit3A_226 : i32
        %rem3A_231 = arith.remsi %sub3A_225, %select_n3A_230 : i32
        %ne3A_232 = arith.constant 0 : i32
        %ne3A_233 = arith.cmpi ne, %rem3A_231, %ne3A_232 : i32
        %lt3A_234 = arith.constant 0 : i32
        %lt3A_235 = arith.cmpi slt, %rem3A_231, %lt3A_234 : i32
        %lt3A_236 = arith.constant 0 : i32
        %lt3A_237 = arith.cmpi slt, %select_n3A_230, %lt3A_236 : i32
        %ne3A_238 = arith.xori %lt3A_235, %lt3A_237 : i1
        %and3A_239 = arith.andi %ne3A_238, %ne3A_233 : i1
        %add3A_240 = arith.addi %rem3A_231, %select_n3A_230 : i32
        %select_n3A_241 = arith.select %and3A_239, %add3A_240, %rem3A_231 : i32
        %dma_wait3A_242 = arith.constant 0 : i32
        %dma_wait3A_243 = arith.constant 0 : i32
        %dma_wait3A_244 = tpu.memref_slice %arg7[%select_n3A_241, %dma_wait3A_242, %dma_wait3A_243] : memref<2x128x128xf32, #tpu.memory_space<vmem>> -> memref<1x128x128xf32, #tpu.memory_space<vmem>>
        %dma_wait3A_245 = tpu.memref_squeeze %dma_wait3A_244 : memref<1x128x128xf32, #tpu.memory_space<vmem>> -> memref<128x128xf32, #tpu.memory_space<vmem>>
        %dma_wait3A_246 = arith.constant 0 : i32
        %dma_wait3A_247 = arith.constant 0 : i32
        %dma_wait3A_248 = tpu.memref_slice %arg2[%dma_wait3A_246, %dma_wait3A_247] : memref<10240x128xf32, #tpu.memory_space<hbm>> -> memref<128x128xf32, #tpu.memory_space<hbm>>
        %dma_wait3A_249 = tpu.memref_slice %arg10[%select_n3A_241] : memref<2x!tpu.dma_semaphore, #tpu.memory_space<semaphore_mem>> -> memref<1x!tpu.dma_semaphore, #tpu.memory_space<semaphore_mem>>
        %dma_wait3A_250 = tpu.memref_squeeze %dma_wait3A_249 : memref<1x!tpu.dma_semaphore, #tpu.memory_space<semaphore_mem>> -> memref<!tpu.dma_semaphore, #tpu.memory_space<semaphore_mem>>
        %dma_wait3A_251 = arith.constant 0 : i32
        %dma_wait3A_252 = arith.constant 0 : i32
        %dma_wait3A_253 = tpu.memref_slice %arg7[%select_n3A_241, %dma_wait3A_251, %dma_wait3A_252] : memref<2x128x128xf32, #tpu.memory_space<vmem>> -> memref<1x128x128xf32, #tpu.memory_space<vmem>>
        %dma_wait3A_254 = tpu.memref_squeeze %dma_wait3A_253 : memref<1x128x128xf32, #tpu.memory_space<vmem>> -> memref<128x128xf32, #tpu.memory_space<vmem>>
        %dma_wait3A_255 = arith.constant 0 : i32
        %dma_wait3A_256 = arith.constant 0 : i32
        %dma_wait3A_257 = tpu.memref_slice %arg2[%dma_wait3A_255, %dma_wait3A_256] : memref<10240x128xf32, #tpu.memory_space<hbm>> -> memref<128x128xf32, #tpu.memory_space<hbm>>
        tpu.wait_dma2 semaphore(%dma_wait3A_250 : memref<!tpu.dma_semaphore, #tpu.memory_space<semaphore_mem>>) src(%dma_wait3A_257 : memref<128x128xf32, #tpu.memory_space<hbm>>) dst(%dma_wait3A_254 : memref<128x128xf32, #tpu.memory_space<vmem>>)
      } else {
      }
      %add3A_158 = arith.constant 1 : i32
      %add3A_159 = arith.addi %add3A_152, %add3A_158 : i32
      %lt3A_160 = arith.constant 40 : i32
      %lt3A_161 = arith.cmpi slt, %add3A_159, %lt3A_160 : i32
      %convert_element_type3A_162 = arith.extui %lt3A_161 : i1 to i32
      %cond3A_163 = arith.constant 0 : i32
      %cond3A_164 = arith.cmpi ne, %convert_element_type3A_162, %cond3A_163 : i32
      scf.if %cond3A_164 {
        %add3A_225 = arith.constant 1 : i32
        %add3A_226 = arith.addi %add3A_152, %add3A_225 : i32
        %add3A_227 = arith.constant 1 : i32
        %add3A_228 = arith.addi %add3A_152, %add3A_227 : i32
        %jit3A_229 = arith.constant 2 : i32
        %eq3A_230 = arith.constant 0 : i32
        %eq3A_231 = arith.cmpi eq, %jit3A_229, %eq3A_230 : i32
        %jit3A_232 = arith.constant 1 : i32
        %select_n3A_233 = arith.select %eq3A_231, %jit3A_232, %jit3A_229 : i32
        %rem3A_234 = arith.remsi %add3A_228, %select_n3A_233 : i32
        %ne3A_235 = arith.constant 0 : i32
        %ne3A_236 = arith.cmpi ne, %rem3A_234, %ne3A_235 : i32
        %lt3A_237 = arith.constant 0 : i32
        %lt3A_238 = arith.cmpi slt, %rem3A_234, %lt3A_237 : i32
        %lt3A_239 = arith.constant 0 : i32
        %lt3A_240 = arith.cmpi slt, %select_n3A_233, %lt3A_239 : i32
        %ne3A_241 = arith.xori %lt3A_238, %lt3A_240 : i1
        %and3A_242 = arith.andi %ne3A_241, %ne3A_236 : i1
        %add3A_243 = arith.addi %rem3A_234, %select_n3A_233 : i32
        %select_n3A_244 = arith.select %and3A_242, %add3A_243, %rem3A_234 : i32
        %dma_start3A_245 = arith.constant 0 : i32
        %dma_start3A_246 = arith.constant 0 : i32
        %dma_start3A_247 = tpu.memref_slice %arg7[%select_n3A_244, %dma_start3A_245, %dma_start3A_246] : memref<2x128x128xf32, #tpu.memory_space<vmem>> -> memref<1x128x128xf32, #tpu.memory_space<vmem>>
        %dma_start3A_248 = tpu.memref_squeeze %dma_start3A_247 : memref<1x128x128xf32, #tpu.memory_space<vmem>> -> memref<128x128xf32, #tpu.memory_space<vmem>>
        %dma_start3A_249 = arith.constant 0 : i32
        %dma_start3A_250 = tpu.memref_slice %arg5[%add3A_226, %dma_start3A_249] : memref<40x128xi32, #tpu.memory_space<vmem>> -> memref<1x128xi32, #tpu.memory_space<vmem>>
        %dma_start3A_251 = tpu.memref_squeeze %dma_start3A_250 : memref<1x128xi32, #tpu.memory_space<vmem>> -> memref<128xi32, #tpu.memory_space<vmem>>
        %dma_start3A_252 = arith.constant 0 : i32
        %dma_start3A_253 = arith.constant 0 : i32
        %dma_start3A_254 = tpu.memref_slice %arg2[%dma_start3A_252, %dma_start3A_253] : memref<10240x128xf32, #tpu.memory_space<hbm>> -> memref<10240x128xf32, #tpu.memory_space<hbm>>
        %dma_start3A_255 = tpu.memref_slice %arg9[%select_n3A_244] : memref<2x!tpu.dma_semaphore, #tpu.memory_space<semaphore_mem>> -> memref<1x!tpu.dma_semaphore, #tpu.memory_space<semaphore_mem>>
        %dma_start3A_256 = tpu.memref_squeeze %dma_start3A_255 : memref<1x!tpu.dma_semaphore, #tpu.memory_space<semaphore_mem>> -> memref<!tpu.dma_semaphore, #tpu.memory_space<semaphore_mem>>
        tpu.enqueue_indirect_dma source(%dma_start3A_254 : memref<10240x128xf32, #tpu.memory_space<hbm>>) target(%dma_start3A_248 : memref<128x128xf32, #tpu.memory_space<vmem>>) offsets(%dma_start3A_251 : memref<128xi32, #tpu.memory_space<vmem>>) semaphore(%dma_start3A_256 : memref<!tpu.dma_semaphore, #tpu.memory_space<semaphore_mem>>)
      } else {
      }
      %jit3A_165 = arith.constant 2 : i32
      %eq3A_166 = arith.constant 0 : i32
      %eq3A_167 = arith.cmpi eq, %jit3A_165, %eq3A_166 : i32
      %jit3A_168 = arith.constant 1 : i32
      %select_n3A_169 = arith.select %eq3A_167, %jit3A_168, %jit3A_165 : i32
      %rem3A_170 = arith.remsi %add3A_152, %select_n3A_169 : i32
      %ne3A_171 = arith.constant 0 : i32
      %ne3A_172 = arith.cmpi ne, %rem3A_170, %ne3A_171 : i32
      %lt3A_173 = arith.constant 0 : i32
      %lt3A_174 = arith.cmpi slt, %rem3A_170, %lt3A_173 : i32
      %lt3A_175 = arith.constant 0 : i32
      %lt3A_176 = arith.cmpi slt, %select_n3A_169, %lt3A_175 : i32
      %ne3A_177 = arith.xori %lt3A_174, %lt3A_176 : i1
      %and3A_178 = arith.andi %ne3A_177, %ne3A_172 : i1
      %add3A_179 = arith.addi %rem3A_170, %select_n3A_169 : i32
      %select_n3A_180 = arith.select %and3A_178, %add3A_179, %rem3A_170 : i32
      %dma_wait3A_181 = arith.constant 0 : i32
      %dma_wait3A_182 = arith.constant 0 : i32
      %dma_wait3A_183 = tpu.memref_slice %arg7[%select_n3A_180, %dma_wait3A_181, %dma_wait3A_182] : memref<2x128x128xf32, #tpu.memory_space<vmem>> -> memref<1x128x128xf32, #tpu.memory_space<vmem>>
      %dma_wait3A_184 = tpu.memref_squeeze %dma_wait3A_183 : memref<1x128x128xf32, #tpu.memory_space<vmem>> -> memref<128x128xf32, #tpu.memory_space<vmem>>
      %dma_wait3A_185 = arith.constant 0 : i32
      %dma_wait3A_186 = arith.constant 0 : i32
      %dma_wait3A_187 = tpu.memref_slice %arg2[%dma_wait3A_185, %dma_wait3A_186] : memref<10240x128xf32, #tpu.memory_space<hbm>> -> memref<128x128xf32, #tpu.memory_space<hbm>>
      %dma_wait3A_188 = tpu.memref_slice %arg9[%select_n3A_180] : memref<2x!tpu.dma_semaphore, #tpu.memory_space<semaphore_mem>> -> memref<1x!tpu.dma_semaphore, #tpu.memory_space<semaphore_mem>>
      %dma_wait3A_189 = tpu.memref_squeeze %dma_wait3A_188 : memref<1x!tpu.dma_semaphore, #tpu.memory_space<semaphore_mem>> -> memref<!tpu.dma_semaphore, #tpu.memory_space<semaphore_mem>>
      %dma_wait3A_190 = arith.constant 0 : i32
      %dma_wait3A_191 = arith.constant 0 : i32
      %dma_wait3A_192 = tpu.memref_slice %arg7[%select_n3A_180, %dma_wait3A_190, %dma_wait3A_191] : memref<2x128x128xf32, #tpu.memory_space<vmem>> -> memref<1x128x128xf32, #tpu.memory_space<vmem>>
      %dma_wait3A_193 = tpu.memref_squeeze %dma_wait3A_192 : memref<1x128x128xf32, #tpu.memory_space<vmem>> -> memref<128x128xf32, #tpu.memory_space<vmem>>
      %dma_wait3A_194 = arith.constant 0 : i32
      %dma_wait3A_195 = arith.constant 0 : i32
      %dma_wait3A_196 = tpu.memref_slice %arg2[%dma_wait3A_194, %dma_wait3A_195] : memref<10240x128xf32, #tpu.memory_space<hbm>> -> memref<128x128xf32, #tpu.memory_space<hbm>>
      tpu.wait_dma2 semaphore(%dma_wait3A_189 : memref<!tpu.dma_semaphore, #tpu.memory_space<semaphore_mem>>) src(%dma_wait3A_196 : memref<128x128xf32, #tpu.memory_space<hbm>>) dst(%dma_wait3A_193 : memref<128x128xf32, #tpu.memory_space<vmem>>)
      %jit3A_197 = arith.constant 2 : i32
      %eq3A_198 = arith.constant 0 : i32
      %eq3A_199 = arith.cmpi eq, %jit3A_197, %eq3A_198 : i32
      %jit3A_200 = arith.constant 1 : i32
      %select_n3A_201 = arith.select %eq3A_199, %jit3A_200, %jit3A_197 : i32
      %rem3A_202 = arith.remsi %add3A_152, %select_n3A_201 : i32
      %ne3A_203 = arith.constant 0 : i32
      %ne3A_204 = arith.cmpi ne, %rem3A_202, %ne3A_203 : i32
      %lt3A_205 = arith.constant 0 : i32
      %lt3A_206 = arith.cmpi slt, %rem3A_202, %lt3A_205 : i32
      %lt3A_207 = arith.constant 0 : i32
      %lt3A_208 = arith.cmpi slt, %select_n3A_201, %lt3A_207 : i32
      %ne3A_209 = arith.xori %lt3A_206, %lt3A_208 : i1
      %and3A_210 = arith.andi %ne3A_209, %ne3A_204 : i1
      %add3A_211 = arith.addi %rem3A_202, %select_n3A_201 : i32
      %select_n3A_212 = arith.select %and3A_210, %add3A_211, %rem3A_202 : i32
      %dma_start3A_213 = arith.constant 0 : i32
      %dma_start3A_214 = arith.constant 0 : i32
      %dma_start3A_215 = tpu.memref_slice %arg7[%select_n3A_212, %dma_start3A_213, %dma_start3A_214] : memref<2x128x128xf32, #tpu.memory_space<vmem>> -> memref<1x128x128xf32, #tpu.memory_space<vmem>>
      %dma_start3A_216 = tpu.memref_squeeze %dma_start3A_215 : memref<1x128x128xf32, #tpu.memory_space<vmem>> -> memref<128x128xf32, #tpu.memory_space<vmem>>
      %dma_start3A_217 = arith.constant 0 : i32
      %dma_start3A_218 = tpu.memref_slice %arg6[%add3A_152, %dma_start3A_217] : memref<40x128xi32, #tpu.memory_space<vmem>> -> memref<1x128xi32, #tpu.memory_space<vmem>>
      %dma_start3A_219 = tpu.memref_squeeze %dma_start3A_218 : memref<1x128xi32, #tpu.memory_space<vmem>> -> memref<128xi32, #tpu.memory_space<vmem>>
      %dma_start3A_220 = arith.constant 0 : i32
      %dma_start3A_221 = arith.constant 0 : i32
      %dma_start3A_222 = tpu.memref_slice %arg8[%dma_start3A_220, %dma_start3A_221] : memref<10240x128xf32, #tpu.memory_space<vmem_shared>> -> memref<10240x128xf32, #tpu.memory_space<vmem_shared>>
      %dma_start3A_223 = tpu.memref_slice %arg10[%select_n3A_212] : memref<2x!tpu.dma_semaphore, #tpu.memory_space<semaphore_mem>> -> memref<1x!tpu.dma_semaphore, #tpu.memory_space<semaphore_mem>>
      %dma_start3A_224 = tpu.memref_squeeze %dma_start3A_223 : memref<1x!tpu.dma_semaphore, #tpu.memory_space<semaphore_mem>> -> memref<!tpu.dma_semaphore, #tpu.memory_space<semaphore_mem>>
      tpu.enqueue_indirect_dma source(%dma_start3A_216 : memref<128x128xf32, #tpu.memory_space<vmem>>) target(%dma_start3A_222 : memref<10240x128xf32, #tpu.memory_space<vmem_shared>>) offsets(%dma_start3A_219 : memref<128xi32, #tpu.memory_space<vmem>>) semaphore(%dma_start3A_224 : memref<!tpu.dma_semaphore, #tpu.memory_space<semaphore_mem>>) {add = true}
    }
    %scan3A_22 = arith.constant 20 : i32
    %dma_wait3A = arith.constant 1 : i32
    %dma_wait3A_23 = arith.constant 1 : i32
    %dma_wait3A_24 = arith.constant 0 : i32
    %dma_wait3A_25 = arith.constant 0 : i32
    %dma_wait3A_26 = tpu.memref_slice %arg7[%dma_wait3A, %dma_wait3A_24, %dma_wait3A_25] : memref<2x128x128xf32, #tpu.memory_space<vmem>> -> memref<1x128x128xf32, #tpu.memory_space<vmem>>
    %dma_wait3A_27 = tpu.memref_squeeze %dma_wait3A_26 : memref<1x128x128xf32, #tpu.memory_space<vmem>> -> memref<128x128xf32, #tpu.memory_space<vmem>>
    %dma_wait3A_28 = arith.constant 0 : i32
    %dma_wait3A_29 = arith.constant 0 : i32
    %dma_wait3A_30 = tpu.memref_slice %arg2[%dma_wait3A_28, %dma_wait3A_29] : memref<10240x128xf32, #tpu.memory_space<hbm>> -> memref<128x128xf32, #tpu.memory_space<hbm>>
    %dma_wait3A_31 = tpu.memref_slice %arg10[%dma_wait3A_23] : memref<2x!tpu.dma_semaphore, #tpu.memory_space<semaphore_mem>> -> memref<1x!tpu.dma_semaphore, #tpu.memory_space<semaphore_mem>>
    %dma_wait3A_32 = tpu.memref_squeeze %dma_wait3A_31 : memref<1x!tpu.dma_semaphore, #tpu.memory_space<semaphore_mem>> -> memref<!tpu.dma_semaphore, #tpu.memory_space<semaphore_mem>>
    %dma_wait3A_33 = arith.constant 0 : i32
    %dma_wait3A_34 = arith.constant 0 : i32
    %dma_wait3A_35 = tpu.memref_slice %arg7[%dma_wait3A, %dma_wait3A_33, %dma_wait3A_34] : memref<2x128x128xf32, #tpu.memory_space<vmem>> -> memref<1x128x128xf32, #tpu.memory_space<vmem>>
    %dma_wait3A_36 = tpu.memref_squeeze %dma_wait3A_35 : memref<1x128x128xf32, #tpu.memory_space<vmem>> -> memref<128x128xf32, #tpu.memory_space<vmem>>
    %dma_wait3A_37 = arith.constant 0 : i32
    %dma_wait3A_38 = arith.constant 0 : i32
    %dma_wait3A_39 = tpu.memref_slice %arg2[%dma_wait3A_37, %dma_wait3A_38] : memref<10240x128xf32, #tpu.memory_space<hbm>> -> memref<128x128xf32, #tpu.memory_space<hbm>>
    tpu.wait_dma2 semaphore(%dma_wait3A_32 : memref<!tpu.dma_semaphore, #tpu.memory_space<semaphore_mem>>) src(%dma_wait3A_39 : memref<128x128xf32, #tpu.memory_space<hbm>>) dst(%dma_wait3A_36 : memref<128x128xf32, #tpu.memory_space<vmem>>)
    %run_scoped3A_40 = arith.constant 0 : i32
    "tpu.region"() ({
      %run_scoped3A_82 = tpu.sem_alloc : memref<!tpu.dma_semaphore, #tpu.memory_space<semaphore_mem>>
      %dma_start3A_83 = arith.constant 40 : i32
      %dma_start3A_84 = arith.constant 0 : i32
      %dma_start3A_85 = tpu.memref_slice %arg3[%run_scoped3A_40, %add3A, %dma_start3A_83, %dma_start3A_84] : memref<2x32x80x128xi32, #tpu.memory_space<hbm>> -> memref<1x1x40x128xi32, #tpu.memory_space<hbm>>
      %dma_start3A_86 = tpu.memref_squeeze %dma_start3A_85 : memref<1x1x40x128xi32, #tpu.memory_space<hbm>> -> memref<40x128xi32, #tpu.memory_space<hbm>>
      %dma_start3A_87 = arith.constant 40 : i32
      %dma_start3A_88 = arith.constant 0 : i32
      %dma_start3A_89 = tpu.memref_slice %arg3[%run_scoped3A_40, %add3A, %dma_start3A_87, %dma_start3A_88] : memref<2x32x80x128xi32, #tpu.memory_space<hbm>> -> memref<1x1x40x128xi32, #tpu.memory_space<hbm>>
      %dma_start3A_90 = tpu.memref_squeeze %dma_start3A_89 : memref<1x1x40x128xi32, #tpu.memory_space<hbm>> -> memref<40x128xi32, #tpu.memory_space<hbm>>
      tpu.enqueue_dma source(%dma_start3A_90 : memref<40x128xi32, #tpu.memory_space<hbm>>) target(%arg5 : memref<40x128xi32, #tpu.memory_space<vmem>>) target_semaphore(%run_scoped3A_82 : memref<!tpu.dma_semaphore, #tpu.memory_space<semaphore_mem>>)
      %dma_wait3A_91 = arith.constant 40 : i32
      %dma_wait3A_92 = arith.constant 0 : i32
      %dma_wait3A_93 = tpu.memref_slice %arg3[%run_scoped3A_40, %add3A, %dma_wait3A_91, %dma_wait3A_92] : memref<2x32x80x128xi32, #tpu.memory_space<hbm>> -> memref<1x1x40x128xi32, #tpu.memory_space<hbm>>
      %dma_wait3A_94 = tpu.memref_squeeze %dma_wait3A_93 : memref<1x1x40x128xi32, #tpu.memory_space<hbm>> -> memref<40x128xi32, #tpu.memory_space<hbm>>
      %dma_wait3A_95 = arith.constant 40 : i32
      %dma_wait3A_96 = arith.constant 0 : i32
      %dma_wait3A_97 = tpu.memref_slice %arg3[%run_scoped3A_40, %add3A, %dma_wait3A_95, %dma_wait3A_96] : memref<2x32x80x128xi32, #tpu.memory_space<hbm>> -> memref<1x1x40x128xi32, #tpu.memory_space<hbm>>
      %dma_wait3A_98 = tpu.memref_squeeze %dma_wait3A_97 : memref<1x1x40x128xi32, #tpu.memory_space<hbm>> -> memref<40x128xi32, #tpu.memory_space<hbm>>
      tpu.wait_dma2 semaphore(%run_scoped3A_82 : memref<!tpu.dma_semaphore, #tpu.memory_space<semaphore_mem>>) src(%dma_wait3A_98 : memref<40x128xi32, #tpu.memory_space<hbm>>) dst(%arg5 : memref<40x128xi32, #tpu.memory_space<vmem>>)
      tpu.yield
    }) : () -> ()
    %run_scoped3A_41 = arith.constant 1 : i32
    "tpu.region"() ({
      %run_scoped3A_82 = tpu.sem_alloc : memref<!tpu.dma_semaphore, #tpu.memory_space<semaphore_mem>>
      %dma_start3A_83 = arith.constant 40 : i32
      %dma_start3A_84 = arith.constant 0 : i32
      %dma_start3A_85 = tpu.memref_slice %arg3[%run_scoped3A_41, %add3A, %dma_start3A_83, %dma_start3A_84] : memref<2x32x80x128xi32, #tpu.memory_space<hbm>> -> memref<1x1x40x128xi32, #tpu.memory_space<hbm>>
      %dma_start3A_86 = tpu.memref_squeeze %dma_start3A_85 : memref<1x1x40x128xi32, #tpu.memory_space<hbm>> -> memref<40x128xi32, #tpu.memory_space<hbm>>
      %dma_start3A_87 = arith.constant 40 : i32
      %dma_start3A_88 = arith.constant 0 : i32
      %dma_start3A_89 = tpu.memref_slice %arg3[%run_scoped3A_41, %add3A, %dma_start3A_87, %dma_start3A_88] : memref<2x32x80x128xi32, #tpu.memory_space<hbm>> -> memref<1x1x40x128xi32, #tpu.memory_space<hbm>>
      %dma_start3A_90 = tpu.memref_squeeze %dma_start3A_89 : memref<1x1x40x128xi32, #tpu.memory_space<hbm>> -> memref<40x128xi32, #tpu.memory_space<hbm>>
      tpu.enqueue_dma source(%dma_start3A_90 : memref<40x128xi32, #tpu.memory_space<hbm>>) target(%arg6 : memref<40x128xi32, #tpu.memory_space<vmem>>) target_semaphore(%run_scoped3A_82 : memref<!tpu.dma_semaphore, #tpu.memory_space<semaphore_mem>>)
      %dma_wait3A_91 = arith.constant 40 : i32
      %dma_wait3A_92 = arith.constant 0 : i32
      %dma_wait3A_93 = tpu.memref_slice %arg3[%run_scoped3A_41, %add3A, %dma_wait3A_91, %dma_wait3A_92] : memref<2x32x80x128xi32, #tpu.memory_space<hbm>> -> memref<1x1x40x128xi32, #tpu.memory_space<hbm>>
      %dma_wait3A_94 = tpu.memref_squeeze %dma_wait3A_93 : memref<1x1x40x128xi32, #tpu.memory_space<hbm>> -> memref<40x128xi32, #tpu.memory_space<hbm>>
      %dma_wait3A_95 = arith.constant 40 : i32
      %dma_wait3A_96 = arith.constant 0 : i32
      %dma_wait3A_97 = tpu.memref_slice %arg3[%run_scoped3A_41, %add3A, %dma_wait3A_95, %dma_wait3A_96] : memref<2x32x80x128xi32, #tpu.memory_space<hbm>> -> memref<1x1x40x128xi32, #tpu.memory_space<hbm>>
      %dma_wait3A_98 = tpu.memref_squeeze %dma_wait3A_97 : memref<1x1x40x128xi32, #tpu.memory_space<hbm>> -> memref<40x128xi32, #tpu.memory_space<hbm>>
      tpu.wait_dma2 semaphore(%run_scoped3A_82 : memref<!tpu.dma_semaphore, #tpu.memory_space<semaphore_mem>>) src(%dma_wait3A_98 : memref<40x128xi32, #tpu.memory_space<hbm>>) dst(%arg6 : memref<40x128xi32, #tpu.memory_space<vmem>>)
      tpu.yield
    }) : () -> ()
    %dma_start3A_42 = arith.constant 0 : i32
    %dma_start3A_43 = arith.constant 0 : i32
    %dma_start3A_44 = arith.constant 0 : i32
    %dma_start3A_45 = arith.constant 0 : i32
    %dma_start3A_46 = arith.constant 0 : i32
    %dma_start3A_47 = tpu.memref_slice %arg7[%dma_start3A_43, %dma_start3A_45, %dma_start3A_46] : memref<2x128x128xf32, #tpu.memory_space<vmem>> -> memref<1x128x128xf32, #tpu.memory_space<vmem>>
    %dma_start3A_48 = tpu.memref_squeeze %dma_start3A_47 : memref<1x128x128xf32, #tpu.memory_space<vmem>> -> memref<128x128xf32, #tpu.memory_space<vmem>>
    %dma_start3A_49 = arith.constant 0 : i32
    %dma_start3A_50 = tpu.memref_slice %arg5[%dma_start3A_42, %dma_start3A_49] : memref<40x128xi32, #tpu.memory_space<vmem>> -> memref<1x128xi32, #tpu.memory_space<vmem>>
    %dma_start3A_51 = tpu.memref_squeeze %dma_start3A_50 : memref<1x128xi32, #tpu.memory_space<vmem>> -> memref<128xi32, #tpu.memory_space<vmem>>
    %dma_start3A_52 = arith.constant 0 : i32
    %dma_start3A_53 = arith.constant 0 : i32
    %dma_start3A_54 = tpu.memref_slice %arg2[%dma_start3A_52, %dma_start3A_53] : memref<10240x128xf32, #tpu.memory_space<hbm>> -> memref<10240x128xf32, #tpu.memory_space<hbm>>
    %dma_start3A_55 = tpu.memref_slice %arg9[%dma_start3A_44] : memref<2x!tpu.dma_semaphore, #tpu.memory_space<semaphore_mem>> -> memref<1x!tpu.dma_semaphore, #tpu.memory_space<semaphore_mem>>
    %dma_start3A_56 = tpu.memref_squeeze %dma_start3A_55 : memref<1x!tpu.dma_semaphore, #tpu.memory_space<semaphore_mem>> -> memref<!tpu.dma_semaphore, #tpu.memory_space<semaphore_mem>>
    tpu.enqueue_indirect_dma source(%dma_start3A_54 : memref<10240x128xf32, #tpu.memory_space<hbm>>) target(%dma_start3A_48 : memref<128x128xf32, #tpu.memory_space<vmem>>) offsets(%dma_start3A_51 : memref<128xi32, #tpu.memory_space<vmem>>) semaphore(%dma_start3A_56 : memref<!tpu.dma_semaphore, #tpu.memory_space<semaphore_mem>>)
    %scan3A_57 = arith.constant 0 : i32
    %scan3A_58 = arith.constant 0 : i32
    %scan3A_59 = arith.constant 20 : i32
    %scan3A_60 = arith.addi %scan3A_58, %scan3A_59 : i32
    %scan3A_61 = arith.constant 1 : i32
    scf.for %scan3A_82 = %scan3A_58 to %scan3A_60 step %scan3A_61  : i32 {
      %mul3A_83 = arith.constant 2 : i32
      %mul3A_84 = arith.muli %scan3A_82, %mul3A_83 : i32
      %add3A_85 = arith.constant 0 : i32
      %add3A_86 = arith.addi %mul3A_84, %add3A_85 : i32
      %ge3A = arith.constant 1 : i32
      %ge3A_87 = arith.cmpi sge, %add3A_86, %ge3A : i32
      %convert_element_type3A = arith.extui %ge3A_87 : i1 to i32
      %cond3A = arith.constant 0 : i32
      %cond3A_88 = arith.cmpi ne, %convert_element_type3A, %cond3A : i32
      scf.if %cond3A_88 {
        %sub3A = arith.constant 1 : i32
        %sub3A_225 = arith.subi %add3A_86, %sub3A : i32
        %jit3A_226 = arith.constant 2 : i32
        %eq3A_227 = arith.constant 0 : i32
        %eq3A_228 = arith.cmpi eq, %jit3A_226, %eq3A_227 : i32
        %jit3A_229 = arith.constant 1 : i32
        %select_n3A_230 = arith.select %eq3A_228, %jit3A_229, %jit3A_226 : i32
        %rem3A_231 = arith.remsi %sub3A_225, %select_n3A_230 : i32
        %ne3A_232 = arith.constant 0 : i32
        %ne3A_233 = arith.cmpi ne, %rem3A_231, %ne3A_232 : i32
        %lt3A_234 = arith.constant 0 : i32
        %lt3A_235 = arith.cmpi slt, %rem3A_231, %lt3A_234 : i32
        %lt3A_236 = arith.constant 0 : i32
        %lt3A_237 = arith.cmpi slt, %select_n3A_230, %lt3A_236 : i32
        %ne3A_238 = arith.xori %lt3A_235, %lt3A_237 : i1
        %and3A_239 = arith.andi %ne3A_238, %ne3A_233 : i1
        %add3A_240 = arith.addi %rem3A_231, %select_n3A_230 : i32
        %select_n3A_241 = arith.select %and3A_239, %add3A_240, %rem3A_231 : i32
        %dma_wait3A_242 = arith.constant 0 : i32
        %dma_wait3A_243 = arith.constant 0 : i32
        %dma_wait3A_244 = tpu.memref_slice %arg7[%select_n3A_241, %dma_wait3A_242, %dma_wait3A_243] : memref<2x128x128xf32, #tpu.memory_space<vmem>> -> memref<1x128x128xf32, #tpu.memory_space<vmem>>
        %dma_wait3A_245 = tpu.memref_squeeze %dma_wait3A_244 : memref<1x128x128xf32, #tpu.memory_space<vmem>> -> memref<128x128xf32, #tpu.memory_space<vmem>>
        %dma_wait3A_246 = arith.constant 0 : i32
        %dma_wait3A_247 = arith.constant 0 : i32
        %dma_wait3A_248 = tpu.memref_slice %arg2[%dma_wait3A_246, %dma_wait3A_247] : memref<10240x128xf32, #tpu.memory_space<hbm>> -> memref<128x128xf32, #tpu.memory_space<hbm>>
        %dma_wait3A_249 = tpu.memref_slice %arg10[%select_n3A_241] : memref<2x!tpu.dma_semaphore, #tpu.memory_space<semaphore_mem>> -> memref<1x!tpu.dma_semaphore, #tpu.memory_space<semaphore_mem>>
        %dma_wait3A_250 = tpu.memref_squeeze %dma_wait3A_249 : memref<1x!tpu.dma_semaphore, #tpu.memory_space<semaphore_mem>> -> memref<!tpu.dma_semaphore, #tpu.memory_space<semaphore_mem>>
        %dma_wait3A_251 = arith.constant 0 : i32
        %dma_wait3A_252 = arith.constant 0 : i32
        %dma_wait3A_253 = tpu.memref_slice %arg7[%select_n3A_241, %dma_wait3A_251, %dma_wait3A_252] : memref<2x128x128xf32, #tpu.memory_space<vmem>> -> memref<1x128x128xf32, #tpu.memory_space<vmem>>
        %dma_wait3A_254 = tpu.memref_squeeze %dma_wait3A_253 : memref<1x128x128xf32, #tpu.memory_space<vmem>> -> memref<128x128xf32, #tpu.memory_space<vmem>>
        %dma_wait3A_255 = arith.constant 0 : i32
        %dma_wait3A_256 = arith.constant 0 : i32
        %dma_wait3A_257 = tpu.memref_slice %arg2[%dma_wait3A_255, %dma_wait3A_256] : memref<10240x128xf32, #tpu.memory_space<hbm>> -> memref<128x128xf32, #tpu.memory_space<hbm>>
        tpu.wait_dma2 semaphore(%dma_wait3A_250 : memref<!tpu.dma_semaphore, #tpu.memory_space<semaphore_mem>>) src(%dma_wait3A_257 : memref<128x128xf32, #tpu.memory_space<hbm>>) dst(%dma_wait3A_254 : memref<128x128xf32, #tpu.memory_space<vmem>>)
      } else {
      }
      %add3A_89 = arith.constant 1 : i32
      %add3A_90 = arith.addi %add3A_86, %add3A_89 : i32
      %lt3A = arith.constant 40 : i32
      %lt3A_91 = arith.cmpi slt, %add3A_90, %lt3A : i32
      %convert_element_type3A_92 = arith.extui %lt3A_91 : i1 to i32
      %cond3A_93 = arith.constant 0 : i32
      %cond3A_94 = arith.cmpi ne, %convert_element_type3A_92, %cond3A_93 : i32
      scf.if %cond3A_94 {
        %add3A_225 = arith.constant 1 : i32
        %add3A_226 = arith.addi %add3A_86, %add3A_225 : i32
        %add3A_227 = arith.constant 1 : i32
        %add3A_228 = arith.addi %add3A_86, %add3A_227 : i32
        %jit3A_229 = arith.constant 2 : i32
        %eq3A_230 = arith.constant 0 : i32
        %eq3A_231 = arith.cmpi eq, %jit3A_229, %eq3A_230 : i32
        %jit3A_232 = arith.constant 1 : i32
        %select_n3A_233 = arith.select %eq3A_231, %jit3A_232, %jit3A_229 : i32
        %rem3A_234 = arith.remsi %add3A_228, %select_n3A_233 : i32
        %ne3A_235 = arith.constant 0 : i32
        %ne3A_236 = arith.cmpi ne, %rem3A_234, %ne3A_235 : i32
        %lt3A_237 = arith.constant 0 : i32
        %lt3A_238 = arith.cmpi slt, %rem3A_234, %lt3A_237 : i32
        %lt3A_239 = arith.constant 0 : i32
        %lt3A_240 = arith.cmpi slt, %select_n3A_233, %lt3A_239 : i32
        %ne3A_241 = arith.xori %lt3A_238, %lt3A_240 : i1
        %and3A_242 = arith.andi %ne3A_241, %ne3A_236 : i1
        %add3A_243 = arith.addi %rem3A_234, %select_n3A_233 : i32
        %select_n3A_244 = arith.select %and3A_242, %add3A_243, %rem3A_234 : i32
        %dma_start3A_245 = arith.constant 0 : i32
        %dma_start3A_246 = arith.constant 0 : i32
        %dma_start3A_247 = tpu.memref_slice %arg7[%select_n3A_244, %dma_start3A_245, %dma_start3A_246] : memref<2x128x128xf32, #tpu.memory_space<vmem>> -> memref<1x128x128xf32, #tpu.memory_space<vmem>>
        %dma_start3A_248 = tpu.memref_squeeze %dma_start3A_247 : memref<1x128x128xf32, #tpu.memory_space<vmem>> -> memref<128x128xf32, #tpu.memory_space<vmem>>
        %dma_start3A_249 = arith.constant 0 : i32
        %dma_start3A_250 = tpu.memref_slice %arg5[%add3A_226, %dma_start3A_249] : memref<40x128xi32, #tpu.memory_space<vmem>> -> memref<1x128xi32, #tpu.memory_space<vmem>>
        %dma_start3A_251 = tpu.memref_squeeze %dma_start3A_250 : memref<1x128xi32, #tpu.memory_space<vmem>> -> memref<128xi32, #tpu.memory_space<vmem>>
        %dma_start3A_252 = arith.constant 0 : i32
        %dma_start3A_253 = arith.constant 0 : i32
        %dma_start3A_254 = tpu.memref_slice %arg2[%dma_start3A_252, %dma_start3A_253] : memref<10240x128xf32, #tpu.memory_space<hbm>> -> memref<10240x128xf32, #tpu.memory_space<hbm>>
        %dma_start3A_255 = tpu.memref_slice %arg9[%select_n3A_244] : memref<2x!tpu.dma_semaphore, #tpu.memory_space<semaphore_mem>> -> memref<1x!tpu.dma_semaphore, #tpu.memory_space<semaphore_mem>>
        %dma_start3A_256 = tpu.memref_squeeze %dma_start3A_255 : memref<1x!tpu.dma_semaphore, #tpu.memory_space<semaphore_mem>> -> memref<!tpu.dma_semaphore, #tpu.memory_space<semaphore_mem>>
        tpu.enqueue_indirect_dma source(%dma_start3A_254 : memref<10240x128xf32, #tpu.memory_space<hbm>>) target(%dma_start3A_248 : memref<128x128xf32, #tpu.memory_space<vmem>>) offsets(%dma_start3A_251 : memref<128xi32, #tpu.memory_space<vmem>>) semaphore(%dma_start3A_256 : memref<!tpu.dma_semaphore, #tpu.memory_space<semaphore_mem>>)
      } else {
      }
      %jit3A = arith.constant 2 : i32
      %eq3A = arith.constant 0 : i32
      %eq3A_95 = arith.cmpi eq, %jit3A, %eq3A : i32
      %jit3A_96 = arith.constant 1 : i32
      %select_n3A = arith.select %eq3A_95, %jit3A_96, %jit3A : i32
      %rem3A = arith.remsi %add3A_86, %select_n3A : i32
      %ne3A = arith.constant 0 : i32
      %ne3A_97 = arith.cmpi ne, %rem3A, %ne3A : i32
      %lt3A_98 = arith.constant 0 : i32
      %lt3A_99 = arith.cmpi slt, %rem3A, %lt3A_98 : i32
      %lt3A_100 = arith.constant 0 : i32
      %lt3A_101 = arith.cmpi slt, %select_n3A, %lt3A_100 : i32
      %ne3A_102 = arith.xori %lt3A_99, %lt3A_101 : i1
      %and3A = arith.andi %ne3A_102, %ne3A_97 : i1
      %add3A_103 = arith.addi %rem3A, %select_n3A : i32
      %select_n3A_104 = arith.select %and3A, %add3A_103, %rem3A : i32
      %dma_wait3A_105 = arith.constant 0 : i32
      %dma_wait3A_106 = arith.constant 0 : i32
      %dma_wait3A_107 = tpu.memref_slice %arg7[%select_n3A_104, %dma_wait3A_105, %dma_wait3A_106] : memref<2x128x128xf32, #tpu.memory_space<vmem>> -> memref<1x128x128xf32, #tpu.memory_space<vmem>>
      %dma_wait3A_108 = tpu.memref_squeeze %dma_wait3A_107 : memref<1x128x128xf32, #tpu.memory_space<vmem>> -> memref<128x128xf32, #tpu.memory_space<vmem>>
      %dma_wait3A_109 = arith.constant 0 : i32
      %dma_wait3A_110 = arith.constant 0 : i32
      %dma_wait3A_111 = tpu.memref_slice %arg2[%dma_wait3A_109, %dma_wait3A_110] : memref<10240x128xf32, #tpu.memory_space<hbm>> -> memref<128x128xf32, #tpu.memory_space<hbm>>
      %dma_wait3A_112 = tpu.memref_slice %arg9[%select_n3A_104] : memref<2x!tpu.dma_semaphore, #tpu.memory_space<semaphore_mem>> -> memref<1x!tpu.dma_semaphore, #tpu.memory_space<semaphore_mem>>
      %dma_wait3A_113 = tpu.memref_squeeze %dma_wait3A_112 : memref<1x!tpu.dma_semaphore, #tpu.memory_space<semaphore_mem>> -> memref<!tpu.dma_semaphore, #tpu.memory_space<semaphore_mem>>
      %dma_wait3A_114 = arith.constant 0 : i32
      %dma_wait3A_115 = arith.constant 0 : i32
      %dma_wait3A_116 = tpu.memref_slice %arg7[%select_n3A_104, %dma_wait3A_114, %dma_wait3A_115] : memref<2x128x128xf32, #tpu.memory_space<vmem>> -> memref<1x128x128xf32, #tpu.memory_space<vmem>>
      %dma_wait3A_117 = tpu.memref_squeeze %dma_wait3A_116 : memref<1x128x128xf32, #tpu.memory_space<vmem>> -> memref<128x128xf32, #tpu.memory_space<vmem>>
      %dma_wait3A_118 = arith.constant 0 : i32
      %dma_wait3A_119 = arith.constant 0 : i32
      %dma_wait3A_120 = tpu.memref_slice %arg2[%dma_wait3A_118, %dma_wait3A_119] : memref<10240x128xf32, #tpu.memory_space<hbm>> -> memref<128x128xf32, #tpu.memory_space<hbm>>
      tpu.wait_dma2 semaphore(%dma_wait3A_113 : memref<!tpu.dma_semaphore, #tpu.memory_space<semaphore_mem>>) src(%dma_wait3A_120 : memref<128x128xf32, #tpu.memory_space<hbm>>) dst(%dma_wait3A_117 : memref<128x128xf32, #tpu.memory_space<vmem>>)
      %jit3A_121 = arith.constant 2 : i32
      %eq3A_122 = arith.constant 0 : i32
      %eq3A_123 = arith.cmpi eq, %jit3A_121, %eq3A_122 : i32
      %jit3A_124 = arith.constant 1 : i32
      %select_n3A_125 = arith.select %eq3A_123, %jit3A_124, %jit3A_121 : i32
      %rem3A_126 = arith.remsi %add3A_86, %select_n3A_125 : i32
      %ne3A_127 = arith.constant 0 : i32
      %ne3A_128 = arith.cmpi ne, %rem3A_126, %ne3A_127 : i32
      %lt3A_129 = arith.constant 0 : i32
      %lt3A_130 = arith.cmpi slt, %rem3A_126, %lt3A_129 : i32
      %lt3A_131 = arith.constant 0 : i32
      %lt3A_132 = arith.cmpi slt, %select_n3A_125, %lt3A_131 : i32
      %ne3A_133 = arith.xori %lt3A_130, %lt3A_132 : i1
      %and3A_134 = arith.andi %ne3A_133, %ne3A_128 : i1
      %add3A_135 = arith.addi %rem3A_126, %select_n3A_125 : i32
      %select_n3A_136 = arith.select %and3A_134, %add3A_135, %rem3A_126 : i32
      %dma_start3A_137 = arith.constant 0 : i32
      %dma_start3A_138 = arith.constant 0 : i32
      %dma_start3A_139 = tpu.memref_slice %arg7[%select_n3A_136, %dma_start3A_137, %dma_start3A_138] : memref<2x128x128xf32, #tpu.memory_space<vmem>> -> memref<1x128x128xf32, #tpu.memory_space<vmem>>
      %dma_start3A_140 = tpu.memref_squeeze %dma_start3A_139 : memref<1x128x128xf32, #tpu.memory_space<vmem>> -> memref<128x128xf32, #tpu.memory_space<vmem>>
      %dma_start3A_141 = arith.constant 0 : i32
      %dma_start3A_142 = tpu.memref_slice %arg6[%add3A_86, %dma_start3A_141] : memref<40x128xi32, #tpu.memory_space<vmem>> -> memref<1x128xi32, #tpu.memory_space<vmem>>
      %dma_start3A_143 = tpu.memref_squeeze %dma_start3A_142 : memref<1x128xi32, #tpu.memory_space<vmem>> -> memref<128xi32, #tpu.memory_space<vmem>>
      %dma_start3A_144 = arith.constant 0 : i32
      %dma_start3A_145 = arith.constant 0 : i32
      %dma_start3A_146 = tpu.memref_slice %arg8[%dma_start3A_144, %dma_start3A_145] : memref<10240x128xf32, #tpu.memory_space<vmem_shared>> -> memref<10240x128xf32, #tpu.memory_space<vmem_shared>>
      %dma_start3A_147 = tpu.memref_slice %arg10[%select_n3A_136] : memref<2x!tpu.dma_semaphore, #tpu.memory_space<semaphore_mem>> -> memref<1x!tpu.dma_semaphore, #tpu.memory_space<semaphore_mem>>
      %dma_start3A_148 = tpu.memref_squeeze %dma_start3A_147 : memref<1x!tpu.dma_semaphore, #tpu.memory_space<semaphore_mem>> -> memref<!tpu.dma_semaphore, #tpu.memory_space<semaphore_mem>>
      tpu.enqueue_indirect_dma source(%dma_start3A_140 : memref<128x128xf32, #tpu.memory_space<vmem>>) target(%dma_start3A_146 : memref<10240x128xf32, #tpu.memory_space<vmem_shared>>) offsets(%dma_start3A_143 : memref<128xi32, #tpu.memory_space<vmem>>) semaphore(%dma_start3A_148 : memref<!tpu.dma_semaphore, #tpu.memory_space<semaphore_mem>>) {add = true}
      %mul3A_149 = arith.constant 2 : i32
      %mul3A_150 = arith.muli %scan3A_82, %mul3A_149 : i32
      %add3A_151 = arith.constant 1 : i32
      %add3A_152 = arith.addi %mul3A_150, %add3A_151 : i32
      %ge3A_153 = arith.constant 1 : i32
      %ge3A_154 = arith.cmpi sge, %add3A_152, %ge3A_153 : i32
      %convert_element_type3A_155 = arith.extui %ge3A_154 : i1 to i32
      %cond3A_156 = arith.constant 0 : i32
      %cond3A_157 = arith.cmpi ne, %convert_element_type3A_155, %cond3A_156 : i32
      scf.if %cond3A_157 {
        %sub3A = arith.constant 1 : i32
        %sub3A_225 = arith.subi %add3A_152, %sub3A : i32
        %jit3A_226 = arith.constant 2 : i32
        %eq3A_227 = arith.constant 0 : i32
        %eq3A_228 = arith.cmpi eq, %jit3A_226, %eq3A_227 : i32
        %jit3A_229 = arith.constant 1 : i32
        %select_n3A_230 = arith.select %eq3A_228, %jit3A_229, %jit3A_226 : i32
        %rem3A_231 = arith.remsi %sub3A_225, %select_n3A_230 : i32
        %ne3A_232 = arith.constant 0 : i32
        %ne3A_233 = arith.cmpi ne, %rem3A_231, %ne3A_232 : i32
        %lt3A_234 = arith.constant 0 : i32
        %lt3A_235 = arith.cmpi slt, %rem3A_231, %lt3A_234 : i32
        %lt3A_236 = arith.constant 0 : i32
        %lt3A_237 = arith.cmpi slt, %select_n3A_230, %lt3A_236 : i32
        %ne3A_238 = arith.xori %lt3A_235, %lt3A_237 : i1
        %and3A_239 = arith.andi %ne3A_238, %ne3A_233 : i1
        %add3A_240 = arith.addi %rem3A_231, %select_n3A_230 : i32
        %select_n3A_241 = arith.select %and3A_239, %add3A_240, %rem3A_231 : i32
        %dma_wait3A_242 = arith.constant 0 : i32
        %dma_wait3A_243 = arith.constant 0 : i32
        %dma_wait3A_244 = tpu.memref_slice %arg7[%select_n3A_241, %dma_wait3A_242, %dma_wait3A_243] : memref<2x128x128xf32, #tpu.memory_space<vmem>> -> memref<1x128x128xf32, #tpu.memory_space<vmem>>
        %dma_wait3A_245 = tpu.memref_squeeze %dma_wait3A_244 : memref<1x128x128xf32, #tpu.memory_space<vmem>> -> memref<128x128xf32, #tpu.memory_space<vmem>>
        %dma_wait3A_246 = arith.constant 0 : i32
        %dma_wait3A_247 = arith.constant 0 : i32
        %dma_wait3A_248 = tpu.memref_slice %arg2[%dma_wait3A_246, %dma_wait3A_247] : memref<10240x128xf32, #tpu.memory_space<hbm>> -> memref<128x128xf32, #tpu.memory_space<hbm>>
        %dma_wait3A_249 = tpu.memref_slice %arg10[%select_n3A_241] : memref<2x!tpu.dma_semaphore, #tpu.memory_space<semaphore_mem>> -> memref<1x!tpu.dma_semaphore, #tpu.memory_space<semaphore_mem>>
        %dma_wait3A_250 = tpu.memref_squeeze %dma_wait3A_249 : memref<1x!tpu.dma_semaphore, #tpu.memory_space<semaphore_mem>> -> memref<!tpu.dma_semaphore, #tpu.memory_space<semaphore_mem>>
        %dma_wait3A_251 = arith.constant 0 : i32
        %dma_wait3A_252 = arith.constant 0 : i32
        %dma_wait3A_253 = tpu.memref_slice %arg7[%select_n3A_241, %dma_wait3A_251, %dma_wait3A_252] : memref<2x128x128xf32, #tpu.memory_space<vmem>> -> memref<1x128x128xf32, #tpu.memory_space<vmem>>
        %dma_wait3A_254 = tpu.memref_squeeze %dma_wait3A_253 : memref<1x128x128xf32, #tpu.memory_space<vmem>> -> memref<128x128xf32, #tpu.memory_space<vmem>>
        %dma_wait3A_255 = arith.constant 0 : i32
        %dma_wait3A_256 = arith.constant 0 : i32
        %dma_wait3A_257 = tpu.memref_slice %arg2[%dma_wait3A_255, %dma_wait3A_256] : memref<10240x128xf32, #tpu.memory_space<hbm>> -> memref<128x128xf32, #tpu.memory_space<hbm>>
        tpu.wait_dma2 semaphore(%dma_wait3A_250 : memref<!tpu.dma_semaphore, #tpu.memory_space<semaphore_mem>>) src(%dma_wait3A_257 : memref<128x128xf32, #tpu.memory_space<hbm>>) dst(%dma_wait3A_254 : memref<128x128xf32, #tpu.memory_space<vmem>>)
      } else {
      }
      %add3A_158 = arith.constant 1 : i32
      %add3A_159 = arith.addi %add3A_152, %add3A_158 : i32
      %lt3A_160 = arith.constant 40 : i32
      %lt3A_161 = arith.cmpi slt, %add3A_159, %lt3A_160 : i32
      %convert_element_type3A_162 = arith.extui %lt3A_161 : i1 to i32
      %cond3A_163 = arith.constant 0 : i32
      %cond3A_164 = arith.cmpi ne, %convert_element_type3A_162, %cond3A_163 : i32
      scf.if %cond3A_164 {
        %add3A_225 = arith.constant 1 : i32
        %add3A_226 = arith.addi %add3A_152, %add3A_225 : i32
        %add3A_227 = arith.constant 1 : i32
        %add3A_228 = arith.addi %add3A_152, %add3A_227 : i32
        %jit3A_229 = arith.constant 2 : i32
        %eq3A_230 = arith.constant 0 : i32
        %eq3A_231 = arith.cmpi eq, %jit3A_229, %eq3A_230 : i32
        %jit3A_232 = arith.constant 1 : i32
        %select_n3A_233 = arith.select %eq3A_231, %jit3A_232, %jit3A_229 : i32
        %rem3A_234 = arith.remsi %add3A_228, %select_n3A_233 : i32
        %ne3A_235 = arith.constant 0 : i32
        %ne3A_236 = arith.cmpi ne, %rem3A_234, %ne3A_235 : i32
        %lt3A_237 = arith.constant 0 : i32
        %lt3A_238 = arith.cmpi slt, %rem3A_234, %lt3A_237 : i32
        %lt3A_239 = arith.constant 0 : i32
        %lt3A_240 = arith.cmpi slt, %select_n3A_233, %lt3A_239 : i32
        %ne3A_241 = arith.xori %lt3A_238, %lt3A_240 : i1
        %and3A_242 = arith.andi %ne3A_241, %ne3A_236 : i1
        %add3A_243 = arith.addi %rem3A_234, %select_n3A_233 : i32
        %select_n3A_244 = arith.select %and3A_242, %add3A_243, %rem3A_234 : i32
        %dma_start3A_245 = arith.constant 0 : i32
        %dma_start3A_246 = arith.constant 0 : i32
        %dma_start3A_247 = tpu.memref_slice %arg7[%select_n3A_244, %dma_start3A_245, %dma_start3A_246] : memref<2x128x128xf32, #tpu.memory_space<vmem>> -> memref<1x128x128xf32, #tpu.memory_space<vmem>>
        %dma_start3A_248 = tpu.memref_squeeze %dma_start3A_247 : memref<1x128x128xf32, #tpu.memory_space<vmem>> -> memref<128x128xf32, #tpu.memory_space<vmem>>
        %dma_start3A_249 = arith.constant 0 : i32
        %dma_start3A_250 = tpu.memref_slice %arg5[%add3A_226, %dma_start3A_249] : memref<40x128xi32, #tpu.memory_space<vmem>> -> memref<1x128xi32, #tpu.memory_space<vmem>>
        %dma_start3A_251 = tpu.memref_squeeze %dma_start3A_250 : memref<1x128xi32, #tpu.memory_space<vmem>> -> memref<128xi32, #tpu.memory_space<vmem>>
        %dma_start3A_252 = arith.constant 0 : i32
        %dma_start3A_253 = arith.constant 0 : i32
        %dma_start3A_254 = tpu.memref_slice %arg2[%dma_start3A_252, %dma_start3A_253] : memref<10240x128xf32, #tpu.memory_space<hbm>> -> memref<10240x128xf32, #tpu.memory_space<hbm>>
        %dma_start3A_255 = tpu.memref_slice %arg9[%select_n3A_244] : memref<2x!tpu.dma_semaphore, #tpu.memory_space<semaphore_mem>> -> memref<1x!tpu.dma_semaphore, #tpu.memory_space<semaphore_mem>>
        %dma_start3A_256 = tpu.memref_squeeze %dma_start3A_255 : memref<1x!tpu.dma_semaphore, #tpu.memory_space<semaphore_mem>> -> memref<!tpu.dma_semaphore, #tpu.memory_space<semaphore_mem>>
        tpu.enqueue_indirect_dma source(%dma_start3A_254 : memref<10240x128xf32, #tpu.memory_space<hbm>>) target(%dma_start3A_248 : memref<128x128xf32, #tpu.memory_space<vmem>>) offsets(%dma_start3A_251 : memref<128xi32, #tpu.memory_space<vmem>>) semaphore(%dma_start3A_256 : memref<!tpu.dma_semaphore, #tpu.memory_space<semaphore_mem>>)
      } else {
      }
      %jit3A_165 = arith.constant 2 : i32
      %eq3A_166 = arith.constant 0 : i32
      %eq3A_167 = arith.cmpi eq, %jit3A_165, %eq3A_166 : i32
      %jit3A_168 = arith.constant 1 : i32
      %select_n3A_169 = arith.select %eq3A_167, %jit3A_168, %jit3A_165 : i32
      %rem3A_170 = arith.remsi %add3A_152, %select_n3A_169 : i32
      %ne3A_171 = arith.constant 0 : i32
      %ne3A_172 = arith.cmpi ne, %rem3A_170, %ne3A_171 : i32
      %lt3A_173 = arith.constant 0 : i32
      %lt3A_174 = arith.cmpi slt, %rem3A_170, %lt3A_173 : i32
      %lt3A_175 = arith.constant 0 : i32
      %lt3A_176 = arith.cmpi slt, %select_n3A_169, %lt3A_175 : i32
      %ne3A_177 = arith.xori %lt3A_174, %lt3A_176 : i1
      %and3A_178 = arith.andi %ne3A_177, %ne3A_172 : i1
      %add3A_179 = arith.addi %rem3A_170, %select_n3A_169 : i32
      %select_n3A_180 = arith.select %and3A_178, %add3A_179, %rem3A_170 : i32
      %dma_wait3A_181 = arith.constant 0 : i32
      %dma_wait3A_182 = arith.constant 0 : i32
      %dma_wait3A_183 = tpu.memref_slice %arg7[%select_n3A_180, %dma_wait3A_181, %dma_wait3A_182] : memref<2x128x128xf32, #tpu.memory_space<vmem>> -> memref<1x128x128xf32, #tpu.memory_space<vmem>>
      %dma_wait3A_184 = tpu.memref_squeeze %dma_wait3A_183 : memref<1x128x128xf32, #tpu.memory_space<vmem>> -> memref<128x128xf32, #tpu.memory_space<vmem>>
      %dma_wait3A_185 = arith.constant 0 : i32
      %dma_wait3A_186 = arith.constant 0 : i32
      %dma_wait3A_187 = tpu.memref_slice %arg2[%dma_wait3A_185, %dma_wait3A_186] : memref<10240x128xf32, #tpu.memory_space<hbm>> -> memref<128x128xf32, #tpu.memory_space<hbm>>
      %dma_wait3A_188 = tpu.memref_slice %arg9[%select_n3A_180] : memref<2x!tpu.dma_semaphore, #tpu.memory_space<semaphore_mem>> -> memref<1x!tpu.dma_semaphore, #tpu.memory_space<semaphore_mem>>
      %dma_wait3A_189 = tpu.memref_squeeze %dma_wait3A_188 : memref<1x!tpu.dma_semaphore, #tpu.memory_space<semaphore_mem>> -> memref<!tpu.dma_semaphore, #tpu.memory_space<semaphore_mem>>
      %dma_wait3A_190 = arith.constant 0 : i32
      %dma_wait3A_191 = arith.constant 0 : i32
      %dma_wait3A_192 = tpu.memref_slice %arg7[%select_n3A_180, %dma_wait3A_190, %dma_wait3A_191] : memref<2x128x128xf32, #tpu.memory_space<vmem>> -> memref<1x128x128xf32, #tpu.memory_space<vmem>>
      %dma_wait3A_193 = tpu.memref_squeeze %dma_wait3A_192 : memref<1x128x128xf32, #tpu.memory_space<vmem>> -> memref<128x128xf32, #tpu.memory_space<vmem>>
      %dma_wait3A_194 = arith.constant 0 : i32
      %dma_wait3A_195 = arith.constant 0 : i32
      %dma_wait3A_196 = tpu.memref_slice %arg2[%dma_wait3A_194, %dma_wait3A_195] : memref<10240x128xf32, #tpu.memory_space<hbm>> -> memref<128x128xf32, #tpu.memory_space<hbm>>
      tpu.wait_dma2 semaphore(%dma_wait3A_189 : memref<!tpu.dma_semaphore, #tpu.memory_space<semaphore_mem>>) src(%dma_wait3A_196 : memref<128x128xf32, #tpu.memory_space<hbm>>) dst(%dma_wait3A_193 : memref<128x128xf32, #tpu.memory_space<vmem>>)
      %jit3A_197 = arith.constant 2 : i32
      %eq3A_198 = arith.constant 0 : i32
      %eq3A_199 = arith.cmpi eq, %jit3A_197, %eq3A_198 : i32
      %jit3A_200 = arith.constant 1 : i32
      %select_n3A_201 = arith.select %eq3A_199, %jit3A_200, %jit3A_197 : i32
      %rem3A_202 = arith.remsi %add3A_152, %select_n3A_201 : i32
      %ne3A_203 = arith.constant 0 : i32
      %ne3A_204 = arith.cmpi ne, %rem3A_202, %ne3A_203 : i32
      %lt3A_205 = arith.constant 0 : i32
      %lt3A_206 = arith.cmpi slt, %rem3A_202, %lt3A_205 : i32
      %lt3A_207 = arith.constant 0 : i32
      %lt3A_208 = arith.cmpi slt, %select_n3A_201, %lt3A_207 : i32
      %ne3A_209 = arith.xori %lt3A_206, %lt3A_208 : i1
      %and3A_210 = arith.andi %ne3A_209, %ne3A_204 : i1
      %add3A_211 = arith.addi %rem3A_202, %select_n3A_201 : i32
      %select_n3A_212 = arith.select %and3A_210, %add3A_211, %rem3A_202 : i32
      %dma_start3A_213 = arith.constant 0 : i32
      %dma_start3A_214 = arith.constant 0 : i32
      %dma_start3A_215 = tpu.memref_slice %arg7[%select_n3A_212, %dma_start3A_213, %dma_start3A_214] : memref<2x128x128xf32, #tpu.memory_space<vmem>> -> memref<1x128x128xf32, #tpu.memory_space<vmem>>
      %dma_start3A_216 = tpu.memref_squeeze %dma_start3A_215 : memref<1x128x128xf32, #tpu.memory_space<vmem>> -> memref<128x128xf32, #tpu.memory_space<vmem>>
      %dma_start3A_217 = arith.constant 0 : i32
      %dma_start3A_218 = tpu.memref_slice %arg6[%add3A_152, %dma_start3A_217] : memref<40x128xi32, #tpu.memory_space<vmem>> -> memref<1x128xi32, #tpu.memory_space<vmem>>
      %dma_start3A_219 = tpu.memref_squeeze %dma_start3A_218 : memref<1x128xi32, #tpu.memory_space<vmem>> -> memref<128xi32, #tpu.memory_space<vmem>>
      %dma_start3A_220 = arith.constant 0 : i32
      %dma_start3A_221 = arith.constant 0 : i32
      %dma_start3A_222 = tpu.memref_slice %arg8[%dma_start3A_220, %dma_start3A_221] : memref<10240x128xf32, #tpu.memory_space<vmem_shared>> -> memref<10240x128xf32, #tpu.memory_space<vmem_shared>>
      %dma_start3A_223 = tpu.memref_slice %arg10[%select_n3A_212] : memref<2x!tpu.dma_semaphore, #tpu.memory_space<semaphore_mem>> -> memref<1x!tpu.dma_semaphore, #tpu.memory_space<semaphore_mem>>
      %dma_start3A_224 = tpu.memref_squeeze %dma_start3A_223 : memref<1x!tpu.dma_semaphore, #tpu.memory_space<semaphore_mem>> -> memref<!tpu.dma_semaphore, #tpu.memory_space<semaphore_mem>>
      tpu.enqueue_indirect_dma source(%dma_start3A_216 : memref<128x128xf32, #tpu.memory_space<vmem>>) target(%dma_start3A_222 : memref<10240x128xf32, #tpu.memory_space<vmem_shared>>) offsets(%dma_start3A_219 : memref<128xi32, #tpu.memory_space<vmem>>) semaphore(%dma_start3A_224 : memref<!tpu.dma_semaphore, #tpu.memory_space<semaphore_mem>>) {add = true}
    }
    %scan3A_62 = arith.constant 20 : i32
    %dma_wait3A_63 = arith.constant 1 : i32
    %dma_wait3A_64 = arith.constant 1 : i32
    %dma_wait3A_65 = arith.constant 0 : i32
    %dma_wait3A_66 = arith.constant 0 : i32
    %dma_wait3A_67 = tpu.memref_slice %arg7[%dma_wait3A_63, %dma_wait3A_65, %dma_wait3A_66] : memref<2x128x128xf32, #tpu.memory_space<vmem>> -> memref<1x128x128xf32, #tpu.memory_space<vmem>>
    %dma_wait3A_68 = tpu.memref_squeeze %dma_wait3A_67 : memref<1x128x128xf32, #tpu.memory_space<vmem>> -> memref<128x128xf32, #tpu.memory_space<vmem>>
    %dma_wait3A_69 = arith.constant 0 : i32
    %dma_wait3A_70 = arith.constant 0 : i32
    %dma_wait3A_71 = tpu.memref_slice %arg2[%dma_wait3A_69, %dma_wait3A_70] : memref<10240x128xf32, #tpu.memory_space<hbm>> -> memref<128x128xf32, #tpu.memory_space<hbm>>
    %dma_wait3A_72 = tpu.memref_slice %arg10[%dma_wait3A_64] : memref<2x!tpu.dma_semaphore, #tpu.memory_space<semaphore_mem>> -> memref<1x!tpu.dma_semaphore, #tpu.memory_space<semaphore_mem>>
    %dma_wait3A_73 = tpu.memref_squeeze %dma_wait3A_72 : memref<1x!tpu.dma_semaphore, #tpu.memory_space<semaphore_mem>> -> memref<!tpu.dma_semaphore, #tpu.memory_space<semaphore_mem>>
    %dma_wait3A_74 = arith.constant 0 : i32
    %dma_wait3A_75 = arith.constant 0 : i32
    %dma_wait3A_76 = tpu.memref_slice %arg7[%dma_wait3A_63, %dma_wait3A_74, %dma_wait3A_75] : memref<2x128x128xf32, #tpu.memory_space<vmem>> -> memref<1x128x128xf32, #tpu.memory_space<vmem>>
    %dma_wait3A_77 = tpu.memref_squeeze %dma_wait3A_76 : memref<1x128x128xf32, #tpu.memory_space<vmem>> -> memref<128x128xf32, #tpu.memory_space<vmem>>
    %dma_wait3A_78 = arith.constant 0 : i32
    %dma_wait3A_79 = arith.constant 0 : i32
    %dma_wait3A_80 = tpu.memref_slice %arg2[%dma_wait3A_78, %dma_wait3A_79] : memref<10240x128xf32, #tpu.memory_space<hbm>> -> memref<128x128xf32, #tpu.memory_space<hbm>>
    tpu.wait_dma2 semaphore(%dma_wait3A_73 : memref<!tpu.dma_semaphore, #tpu.memory_space<semaphore_mem>>) src(%dma_wait3A_80 : memref<128x128xf32, #tpu.memory_space<hbm>>) dst(%dma_wait3A_77 : memref<128x128xf32, #tpu.memory_space<vmem>>)
    %barrier3A_81 = arith.constant 0 : index
    tpu.barrier barrier_id(%barrier3A_81)
    "tpu.region"() ({
      %run_scoped3A_82 = tpu.sem_alloc : memref<!tpu.dma_semaphore, #tpu.memory_space<semaphore_mem>>
      %dma_start3A_83 = arith.constant 0 : i32
      %dma_start3A_84 = tpu.memref_slice %arg4[%arg0, %mul3A_2, %dma_start3A_83] : memref<2x10240x128xf32, #tpu.memory_space<hbm>> -> memref<1x640x128xf32, #tpu.memory_space<hbm>>
      %dma_start3A_85 = tpu.memref_squeeze %dma_start3A_84 : memref<1x640x128xf32, #tpu.memory_space<hbm>> -> memref<640x128xf32, #tpu.memory_space<hbm>>
      %dma_start3A_86 = arith.constant 0 : i32
      %dma_start3A_87 = tpu.memref_slice %arg8[%mul3A_2, %dma_start3A_86] : memref<10240x128xf32, #tpu.memory_space<vmem_shared>> -> memref<640x128xf32, #tpu.memory_space<vmem_shared>>
      tpu.enqueue_dma source(%dma_start3A_87 : memref<640x128xf32, #tpu.memory_space<vmem_shared>>) target(%dma_start3A_85 : memref<640x128xf32, #tpu.memory_space<hbm>>) target_semaphore(%run_scoped3A_82 : memref<!tpu.dma_semaphore, #tpu.memory_space<semaphore_mem>>)
      %dma_wait3A_88 = arith.constant 0 : i32
      %dma_wait3A_89 = tpu.memref_slice %arg4[%arg0, %mul3A_2, %dma_wait3A_88] : memref<2x10240x128xf32, #tpu.memory_space<hbm>> -> memref<1x640x128xf32, #tpu.memory_space<hbm>>
      %dma_wait3A_90 = tpu.memref_squeeze %dma_wait3A_89 : memref<1x640x128xf32, #tpu.memory_space<hbm>> -> memref<640x128xf32, #tpu.memory_space<hbm>>
      %dma_wait3A_91 = arith.constant 0 : i32
      %dma_wait3A_92 = tpu.memref_slice %arg8[%mul3A_2, %dma_wait3A_91] : memref<10240x128xf32, #tpu.memory_space<vmem_shared>> -> memref<640x128xf32, #tpu.memory_space<vmem_shared>>
      tpu.wait_dma2 semaphore(%run_scoped3A_82 : memref<!tpu.dma_semaphore, #tpu.memory_space<semaphore_mem>>) src(%dma_wait3A_92 : memref<640x128xf32, #tpu.memory_space<vmem_shared>>) dst(%dma_wait3A_90 : memref<640x128xf32, #tpu.memory_space<hbm>>)
      tpu.yield
    }) : () -> ()
    return
  }
}

module attributes {stable_mosaic.version = 14 : i64} {
  func.func @_faces_body(%arg0: i32, %arg1: memref<1000x128xf32, #tpu.memory_space<vmem>>, %arg2: memref<1000x128xf32, #tpu.memory_space<vmem>>, %arg3: memref<1000x128xf32, #tpu.memory_space<vmem>>, %arg4: memref<1000x128xf32, #tpu.memory_space<vmem>>, %arg5: memref<128x128xf32, #tpu.memory_space<vmem>>, %arg6: memref<1x128xf32, #tpu.memory_space<vmem>>, %arg7: memref<128x128xf32, #tpu.memory_space<vmem>>, %arg8: memref<1x128xf32, #tpu.memory_space<vmem>>, %arg9: memref<128x128xf32, #tpu.memory_space<vmem>>, %arg10: memref<1x128xf32, #tpu.memory_space<vmem>>, %arg11: memref<1000x128xf32, #tpu.memory_space<vmem>>) attributes {dimension_semantics = [#tpu.dimension_semantics<arbitrary>], iteration_bounds = array<i64: 10>, scalar_prefetch = 0 : i64, scratch_operands = 0 : i64, tpu.core_type = #tpu.core_type<tc>, window_params = [{transform_indices = @transform_0, window_bounds = array<i64: 1000, 128>}, {transform_indices = @transform_1, window_bounds = array<i64: 1000, 128>}, {transform_indices = @transform_2, window_bounds = array<i64: 1000, 128>}, {transform_indices = @transform_3, window_bounds = array<i64: 1000, 128>}, {pipeline_mode = #tpu.pipeline_mode<synchronous>, transform_indices = @transform_4, window_bounds = array<i64: 128, 128>}, {pipeline_mode = #tpu.pipeline_mode<synchronous>, transform_indices = @transform_5, window_bounds = array<i64: 1, 128>}, {pipeline_mode = #tpu.pipeline_mode<synchronous>, transform_indices = @transform_6, window_bounds = array<i64: 128, 128>}, {pipeline_mode = #tpu.pipeline_mode<synchronous>, transform_indices = @transform_7, window_bounds = array<i64: 1, 128>}, {pipeline_mode = #tpu.pipeline_mode<synchronous>, transform_indices = @transform_8, window_bounds = array<i64: 128, 128>}, {pipeline_mode = #tpu.pipeline_mode<synchronous>, transform_indices = @transform_9, window_bounds = array<i64: 1, 128>}, {transform_indices = @transform_10, window_bounds = array<i64: 1000, 128>}]} {
    %get3A = arith.constant 0 : index
    %get3A_0 = arith.constant 0 : index
    %get3A_1 = vector.load %arg4[%get3A, %get3A_0] : memref<1000x128xf32, #tpu.memory_space<vmem>>, vector<1000x128xf32>
    %get3A_2 = arith.constant 0 : index
    %get3A_3 = arith.constant 0 : index
    %get3A_4 = vector.load %arg1[%get3A_2, %get3A_3] : memref<1000x128xf32, #tpu.memory_space<vmem>>, vector<1000x128xf32>
    %get3A_5 = arith.constant 0 : index
    %get3A_6 = arith.constant 0 : index
    %get3A_7 = vector.load %arg5[%get3A_5, %get3A_6] : memref<128x128xf32, #tpu.memory_space<vmem>>, vector<128x128xf32>
    %dot_general3A = arith.constant dense<0.000000e+00> : vector<1000x128xf32>
    %dot_general3A_8 = tpu.matmul %get3A_4, %get3A_7, %dot_general3A {dimension_numbers = #tpu.dot_dimension_numbers<[1], [0], [0], [1], [0, 0, 1, 1], [], []>, transpose_lhs_hint = false} : vector<1000x128xf32>, vector<128x128xf32>, vector<1000x128xf32> -> vector<1000x128xf32>
    %get3A_9 = arith.constant 0 : index
    %get3A_10 = arith.constant 0 : index
    %get3A_11 = vector.load %arg6[%get3A_9, %get3A_10] : memref<1x128xf32, #tpu.memory_space<vmem>>, vector<1x128xf32>
    %add3A = vector.broadcast %get3A_11 : vector<1x128xf32> to vector<1000x128xf32>
    %add3A_12 = arith.addf %dot_general3A_8, %add3A : vector<1000x128xf32>
    %max3A = arith.constant 0.000000e+00 : f32
    %max3A_13 = vector.broadcast %max3A : f32 to vector<1000x128xf32>
    %max3A_14 = arith.maximumf %add3A_12, %max3A_13 : vector<1000x128xf32>
    %add3A_15 = arith.addf %get3A_1, %max3A_14 : vector<1000x128xf32>
    %get3A_16 = arith.constant 0 : index
    %get3A_17 = arith.constant 0 : index
    %get3A_18 = vector.load %arg2[%get3A_16, %get3A_17] : memref<1000x128xf32, #tpu.memory_space<vmem>>, vector<1000x128xf32>
    %get3A_19 = arith.constant 0 : index
    %get3A_20 = arith.constant 0 : index
    %get3A_21 = vector.load %arg5[%get3A_19, %get3A_20] : memref<128x128xf32, #tpu.memory_space<vmem>>, vector<128x128xf32>
    %dot_general3A_22 = arith.constant dense<0.000000e+00> : vector<1000x128xf32>
    %dot_general3A_23 = tpu.matmul %get3A_18, %get3A_21, %dot_general3A_22 {dimension_numbers = #tpu.dot_dimension_numbers<[1], [0], [0], [1], [0, 0, 1, 1], [], []>, transpose_lhs_hint = false} : vector<1000x128xf32>, vector<128x128xf32>, vector<1000x128xf32> -> vector<1000x128xf32>
    %get3A_24 = arith.constant 0 : index
    %get3A_25 = arith.constant 0 : index
    %get3A_26 = vector.load %arg6[%get3A_24, %get3A_25] : memref<1x128xf32, #tpu.memory_space<vmem>>, vector<1x128xf32>
    %add3A_27 = vector.broadcast %get3A_26 : vector<1x128xf32> to vector<1000x128xf32>
    %add3A_28 = arith.addf %dot_general3A_23, %add3A_27 : vector<1000x128xf32>
    %max3A_29 = arith.constant 0.000000e+00 : f32
    %max3A_30 = vector.broadcast %max3A_29 : f32 to vector<1000x128xf32>
    %max3A_31 = arith.maximumf %add3A_28, %max3A_30 : vector<1000x128xf32>
    %add3A_32 = arith.addf %add3A_15, %max3A_31 : vector<1000x128xf32>
    %get3A_33 = arith.constant 0 : index
    %get3A_34 = arith.constant 0 : index
    %get3A_35 = vector.load %arg3[%get3A_33, %get3A_34] : memref<1000x128xf32, #tpu.memory_space<vmem>>, vector<1000x128xf32>
    %get3A_36 = arith.constant 0 : index
    %get3A_37 = arith.constant 0 : index
    %get3A_38 = vector.load %arg5[%get3A_36, %get3A_37] : memref<128x128xf32, #tpu.memory_space<vmem>>, vector<128x128xf32>
    %dot_general3A_39 = arith.constant dense<0.000000e+00> : vector<1000x128xf32>
    %dot_general3A_40 = tpu.matmul %get3A_35, %get3A_38, %dot_general3A_39 {dimension_numbers = #tpu.dot_dimension_numbers<[1], [0], [0], [1], [0, 0, 1, 1], [], []>, transpose_lhs_hint = false} : vector<1000x128xf32>, vector<128x128xf32>, vector<1000x128xf32> -> vector<1000x128xf32>
    %get3A_41 = arith.constant 0 : index
    %get3A_42 = arith.constant 0 : index
    %get3A_43 = vector.load %arg6[%get3A_41, %get3A_42] : memref<1x128xf32, #tpu.memory_space<vmem>>, vector<1x128xf32>
    %add3A_44 = vector.broadcast %get3A_43 : vector<1x128xf32> to vector<1000x128xf32>
    %add3A_45 = arith.addf %dot_general3A_40, %add3A_44 : vector<1000x128xf32>
    %max3A_46 = arith.constant 0.000000e+00 : f32
    %max3A_47 = vector.broadcast %max3A_46 : f32 to vector<1000x128xf32>
    %max3A_48 = arith.maximumf %add3A_45, %max3A_47 : vector<1000x128xf32>
    %add3A_49 = arith.addf %add3A_32, %max3A_48 : vector<1000x128xf32>
    %get3A_50 = arith.constant 0 : index
    %get3A_51 = arith.constant 0 : index
    %get3A_52 = vector.load %arg7[%get3A_50, %get3A_51] : memref<128x128xf32, #tpu.memory_space<vmem>>, vector<128x128xf32>
    %dot_general3A_53 = arith.constant dense<0.000000e+00> : vector<1000x128xf32>
    %dot_general3A_54 = tpu.matmul %add3A_49, %get3A_52, %dot_general3A_53 {dimension_numbers = #tpu.dot_dimension_numbers<[1], [0], [0], [1], [0, 0, 1, 1], [], []>, transpose_lhs_hint = false} : vector<1000x128xf32>, vector<128x128xf32>, vector<1000x128xf32> -> vector<1000x128xf32>
    %get3A_55 = arith.constant 0 : index
    %get3A_56 = arith.constant 0 : index
    %get3A_57 = vector.load %arg8[%get3A_55, %get3A_56] : memref<1x128xf32, #tpu.memory_space<vmem>>, vector<1x128xf32>
    %add3A_58 = vector.broadcast %get3A_57 : vector<1x128xf32> to vector<1000x128xf32>
    %add3A_59 = arith.addf %dot_general3A_54, %add3A_58 : vector<1000x128xf32>
    %max3A_60 = arith.constant 0.000000e+00 : f32
    %max3A_61 = vector.broadcast %max3A_60 : f32 to vector<1000x128xf32>
    %max3A_62 = arith.maximumf %add3A_59, %max3A_61 : vector<1000x128xf32>
    %get3A_63 = arith.constant 0 : index
    %get3A_64 = arith.constant 0 : index
    %get3A_65 = vector.load %arg9[%get3A_63, %get3A_64] : memref<128x128xf32, #tpu.memory_space<vmem>>, vector<128x128xf32>
    %dot_general3A_66 = arith.constant dense<0.000000e+00> : vector<1000x128xf32>
    %dot_general3A_67 = tpu.matmul %max3A_62, %get3A_65, %dot_general3A_66 {dimension_numbers = #tpu.dot_dimension_numbers<[1], [0], [0], [1], [0, 0, 1, 1], [], []>, transpose_lhs_hint = false} : vector<1000x128xf32>, vector<128x128xf32>, vector<1000x128xf32> -> vector<1000x128xf32>
    %get3A_68 = arith.constant 0 : index
    %get3A_69 = arith.constant 0 : index
    %get3A_70 = vector.load %arg10[%get3A_68, %get3A_69] : memref<1x128xf32, #tpu.memory_space<vmem>>, vector<1x128xf32>
    %add3A_71 = vector.broadcast %get3A_70 : vector<1x128xf32> to vector<1000x128xf32>
    %add3A_72 = arith.addf %dot_general3A_67, %add3A_71 : vector<1000x128xf32>
    %max3A_73 = arith.constant 0.000000e+00 : f32
    %max3A_74 = vector.broadcast %max3A_73 : f32 to vector<1000x128xf32>
    %max3A_75 = arith.maximumf %add3A_72, %max3A_74 : vector<1000x128xf32>
    %swap3A = arith.constant 0 : index
    %swap3A_76 = arith.constant 0 : index
    %swap3A_77 = vector.load %arg11[%swap3A, %swap3A_76] : memref<1000x128xf32, #tpu.memory_space<vmem>>, vector<1000x128xf32>
    tpu.vector_store %arg11[%swap3A, %swap3A_76], %max3A_75 {strides = array<i32>} : memref<1000x128xf32, #tpu.memory_space<vmem>>, vector<1000x128xf32>,
    return
  }
  func.func @transform_0(%arg0: i32) -> (i32, i32) {
    %c0_i32 = arith.constant 0 : i32
    %c0_i32_0 = arith.constant 0 : i32
    return %arg0, %c0_i32 : i32, i32
  }
  func.func @transform_1(%arg0: i32) -> (i32, i32) {
    %c0_i32 = arith.constant 0 : i32
    %c0_i32_0 = arith.constant 0 : i32
    return %arg0, %c0_i32 : i32, i32
  }
  func.func @transform_2(%arg0: i32) -> (i32, i32) {
    %c0_i32 = arith.constant 0 : i32
    %c0_i32_0 = arith.constant 0 : i32
    return %arg0, %c0_i32 : i32, i32
  }
  func.func @transform_3(%arg0: i32) -> (i32, i32) {
    %c0_i32 = arith.constant 0 : i32
    %c0_i32_0 = arith.constant 0 : i32
    return %arg0, %c0_i32 : i32, i32
  }
  func.func @transform_4(%arg0: i32) -> (i32, i32) {
    %c0_i32 = arith.constant 0 : i32
    %c0_i32_0 = arith.constant 0 : i32
    %c0_i32_1 = arith.constant 0 : i32
    return %c0_i32, %c0_i32_0 : i32, i32
  }
  func.func @transform_5(%arg0: i32) -> (i32, i32) {
    %c0_i32 = arith.constant 0 : i32
    %c0_i32_0 = arith.constant 0 : i32
    %c0_i32_1 = arith.constant 0 : i32
    return %c0_i32, %c0_i32_0 : i32, i32
  }
  func.func @transform_6(%arg0: i32) -> (i32, i32) {
    %c0_i32 = arith.constant 0 : i32
    %c0_i32_0 = arith.constant 0 : i32
    %c0_i32_1 = arith.constant 0 : i32
    return %c0_i32, %c0_i32_0 : i32, i32
  }
  func.func @transform_7(%arg0: i32) -> (i32, i32) {
    %c0_i32 = arith.constant 0 : i32
    %c0_i32_0 = arith.constant 0 : i32
    %c0_i32_1 = arith.constant 0 : i32
    return %c0_i32, %c0_i32_0 : i32, i32
  }
  func.func @transform_8(%arg0: i32) -> (i32, i32) {
    %c0_i32 = arith.constant 0 : i32
    %c0_i32_0 = arith.constant 0 : i32
    %c0_i32_1 = arith.constant 0 : i32
    return %c0_i32, %c0_i32_0 : i32, i32
  }
  func.func @transform_9(%arg0: i32) -> (i32, i32) {
    %c0_i32 = arith.constant 0 : i32
    %c0_i32_0 = arith.constant 0 : i32
    %c0_i32_1 = arith.constant 0 : i32
    return %c0_i32, %c0_i32_0 : i32, i32
  }
  func.func @transform_10(%arg0: i32) -> (i32, i32) {
    %c0_i32 = arith.constant 0 : i32
    %c0_i32_0 = arith.constant 0 : i32
    return %arg0, %c0_i32 : i32, i32
  }
}

module attributes {stable_mosaic.version = 14 : i64} {
  func.func @_comb_body(%arg0: i32, %arg1: memref<1000x128xf32, #tpu.memory_space<vmem>>, %arg2: memref<1000x128xf32, #tpu.memory_space<vmem>>, %arg3: memref<1000x128xf32, #tpu.memory_space<vmem>>, %arg4: memref<1000x128xf32, #tpu.memory_space<vmem>>, %arg5: memref<128x128xf32, #tpu.memory_space<vmem>>, %arg6: memref<1x128xf32, #tpu.memory_space<vmem>>, %arg7: memref<128x128xf32, #tpu.memory_space<vmem>>, %arg8: memref<1x128xf32, #tpu.memory_space<vmem>>, %arg9: memref<128x128xf32, #tpu.memory_space<vmem>>, %arg10: memref<128x128xf32, #tpu.memory_space<vmem>>, %arg11: memref<1x128xf32, #tpu.memory_space<vmem>>, %arg12: memref<128x128xf32, #tpu.memory_space<vmem>>, %arg13: memref<1x128xf32, #tpu.memory_space<vmem>>, %arg14: memref<1000x128xf32, #tpu.memory_space<vmem>>, %arg15: memref<8x128xf32, #tpu.memory_space<vmem>>, %arg16: memref<8x128xf32, #tpu.memory_space<vmem>>) attributes {dimension_semantics = [#tpu.dimension_semantics<arbitrary>], iteration_bounds = array<i64: 10>, scalar_prefetch = 0 : i64, scratch_operands = 1 : i64, tpu.core_type = #tpu.core_type<tc>, window_params = [{transform_indices = @transform_0, window_bounds = array<i64: 1000, 128>}, {transform_indices = @transform_1, window_bounds = array<i64: 1000, 128>}, {transform_indices = @transform_2, window_bounds = array<i64: 1000, 128>}, {transform_indices = @transform_3, window_bounds = array<i64: 1000, 128>}, {pipeline_mode = #tpu.pipeline_mode<synchronous>, transform_indices = @transform_4, window_bounds = array<i64: 128, 128>}, {pipeline_mode = #tpu.pipeline_mode<synchronous>, transform_indices = @transform_5, window_bounds = array<i64: 1, 128>}, {pipeline_mode = #tpu.pipeline_mode<synchronous>, transform_indices = @transform_6, window_bounds = array<i64: 128, 128>}, {pipeline_mode = #tpu.pipeline_mode<synchronous>, transform_indices = @transform_7, window_bounds = array<i64: 1, 128>}, {pipeline_mode = #tpu.pipeline_mode<synchronous>, transform_indices = @transform_8, window_bounds = array<i64: 128, 128>}, {pipeline_mode = #tpu.pipeline_mode<synchronous>, transform_indices = @transform_9, window_bounds = array<i64: 128, 128>}, {pipeline_mode = #tpu.pipeline_mode<synchronous>, transform_indices = @transform_10, window_bounds = array<i64: 1, 128>}, {pipeline_mode = #tpu.pipeline_mode<synchronous>, transform_indices = @transform_11, window_bounds = array<i64: 128, 128>}, {pipeline_mode = #tpu.pipeline_mode<synchronous>, transform_indices = @transform_12, window_bounds = array<i64: 1, 128>}, {transform_indices = @transform_13, window_bounds = array<i64: 1000, 128>}, {pipeline_mode = #tpu.pipeline_mode<synchronous>, transform_indices = @transform_14, window_bounds = array<i64: 8, 128>}]} {
    %get3A = arith.constant 0 : index
    %get3A_0 = arith.constant 0 : index
    %get3A_1 = vector.load %arg1[%get3A, %get3A_0] : memref<1000x128xf32, #tpu.memory_space<vmem>>, vector<1000x128xf32>
    %get3A_2 = arith.constant 0 : index
    %get3A_3 = arith.constant 0 : index
    %get3A_4 = vector.load %arg2[%get3A_2, %get3A_3] : memref<1000x128xf32, #tpu.memory_space<vmem>>, vector<1000x128xf32>
    %add3A = arith.addf %get3A_1, %get3A_4 : vector<1000x128xf32>
    %get3A_5 = arith.constant 0 : index
    %get3A_6 = arith.constant 0 : index
    %get3A_7 = vector.load %arg3[%get3A_5, %get3A_6] : memref<1000x128xf32, #tpu.memory_space<vmem>>, vector<1000x128xf32>
    %sub3A = arith.subf %add3A, %get3A_7 : vector<1000x128xf32>
    %get3A_8 = arith.constant 0 : index
    %get3A_9 = arith.constant 0 : index
    %get3A_10 = vector.load %arg5[%get3A_8, %get3A_9] : memref<128x128xf32, #tpu.memory_space<vmem>>, vector<128x128xf32>
    %dot_general3A = arith.constant dense<0.000000e+00> : vector<1000x128xf32>
    %dot_general3A_11 = tpu.matmul %sub3A, %get3A_10, %dot_general3A {dimension_numbers = #tpu.dot_dimension_numbers<[1], [0], [0], [1], [0, 0, 1, 1], [], []>, transpose_lhs_hint = false} : vector<1000x128xf32>, vector<128x128xf32>, vector<1000x128xf32> -> vector<1000x128xf32>
    %get3A_12 = arith.constant 0 : index
    %get3A_13 = arith.constant 0 : index
    %get3A_14 = vector.load %arg6[%get3A_12, %get3A_13] : memref<1x128xf32, #tpu.memory_space<vmem>>, vector<1x128xf32>
    %add3A_15 = vector.broadcast %get3A_14 : vector<1x128xf32> to vector<1000x128xf32>
    %add3A_16 = arith.addf %dot_general3A_11, %add3A_15 : vector<1000x128xf32>
    %max3A = arith.constant 0.000000e+00 : f32
    %max3A_17 = vector.broadcast %max3A : f32 to vector<1000x128xf32>
    %max3A_18 = arith.maximumf %add3A_16, %max3A_17 : vector<1000x128xf32>
    %get3A_19 = arith.constant 0 : index
    %get3A_20 = arith.constant 0 : index
    %get3A_21 = vector.load %arg7[%get3A_19, %get3A_20] : memref<128x128xf32, #tpu.memory_space<vmem>>, vector<128x128xf32>
    %dot_general3A_22 = arith.constant dense<0.000000e+00> : vector<1000x128xf32>
    %dot_general3A_23 = tpu.matmul %max3A_18, %get3A_21, %dot_general3A_22 {dimension_numbers = #tpu.dot_dimension_numbers<[1], [0], [0], [1], [0, 0, 1, 1], [], []>, transpose_lhs_hint = false} : vector<1000x128xf32>, vector<128x128xf32>, vector<1000x128xf32> -> vector<1000x128xf32>
    %get3A_24 = arith.constant 0 : index
    %get3A_25 = arith.constant 0 : index
    %get3A_26 = vector.load %arg8[%get3A_24, %get3A_25] : memref<1x128xf32, #tpu.memory_space<vmem>>, vector<1x128xf32>
    %add3A_27 = vector.broadcast %get3A_26 : vector<1x128xf32> to vector<1000x128xf32>
    %add3A_28 = arith.addf %dot_general3A_23, %add3A_27 : vector<1000x128xf32>
    %max3A_29 = arith.constant 0.000000e+00 : f32
    %max3A_30 = vector.broadcast %max3A_29 : f32 to vector<1000x128xf32>
    %max3A_31 = arith.maximumf %add3A_28, %max3A_30 : vector<1000x128xf32>
    %get3A_32 = arith.constant 0 : index
    %get3A_33 = arith.constant 0 : index
    %get3A_34 = vector.load %arg9[%get3A_32, %get3A_33] : memref<128x128xf32, #tpu.memory_space<vmem>>, vector<128x128xf32>
    %dot_general3A_35 = arith.constant dense<0.000000e+00> : vector<1000x128xf32>
    %dot_general3A_36 = tpu.matmul %max3A_31, %get3A_34, %dot_general3A_35 {dimension_numbers = #tpu.dot_dimension_numbers<[1], [0], [0], [1], [0, 0, 1, 1], [], []>, transpose_lhs_hint = false} : vector<1000x128xf32>, vector<128x128xf32>, vector<1000x128xf32> -> vector<1000x128xf32>
    %get3A_37 = arith.constant 0 : index
    %get3A_38 = arith.constant 0 : index
    %get3A_39 = vector.load %arg4[%get3A_37, %get3A_38] : memref<1000x128xf32, #tpu.memory_space<vmem>>, vector<1000x128xf32>
    %get3A_40 = arith.constant 0 : index
    %get3A_41 = arith.constant 0 : index
    %get3A_42 = vector.load %arg10[%get3A_40, %get3A_41] : memref<128x128xf32, #tpu.memory_space<vmem>>, vector<128x128xf32>
    %dot_general3A_43 = arith.constant dense<0.000000e+00> : vector<1000x128xf32>
    %dot_general3A_44 = tpu.matmul %get3A_39, %get3A_42, %dot_general3A_43 {dimension_numbers = #tpu.dot_dimension_numbers<[1], [0], [0], [1], [0, 0, 1, 1], [], []>, transpose_lhs_hint = false} : vector<1000x128xf32>, vector<128x128xf32>, vector<1000x128xf32> -> vector<1000x128xf32>
    %add3A_45 = arith.addf %dot_general3A_36, %dot_general3A_44 : vector<1000x128xf32>
    %get3A_46 = arith.constant 0 : index
    %get3A_47 = arith.constant 0 : index
    %get3A_48 = vector.load %arg11[%get3A_46, %get3A_47] : memref<1x128xf32, #tpu.memory_space<vmem>>, vector<1x128xf32>
    %add3A_49 = vector.broadcast %get3A_48 : vector<1x128xf32> to vector<1000x128xf32>
    %add3A_50 = arith.addf %add3A_45, %add3A_49 : vector<1000x128xf32>
    %max3A_51 = arith.constant 0.000000e+00 : f32
    %max3A_52 = vector.broadcast %max3A_51 : f32 to vector<1000x128xf32>
    %max3A_53 = arith.maximumf %add3A_50, %max3A_52 : vector<1000x128xf32>
    %get3A_54 = arith.constant 0 : index
    %get3A_55 = arith.constant 0 : index
    %get3A_56 = vector.load %arg12[%get3A_54, %get3A_55] : memref<128x128xf32, #tpu.memory_space<vmem>>, vector<128x128xf32>
    %dot_general3A_57 = arith.constant dense<0.000000e+00> : vector<1000x128xf32>
    %dot_general3A_58 = tpu.matmul %max3A_53, %get3A_56, %dot_general3A_57 {dimension_numbers = #tpu.dot_dimension_numbers<[1], [0], [0], [1], [0, 0, 1, 1], [], []>, transpose_lhs_hint = false} : vector<1000x128xf32>, vector<128x128xf32>, vector<1000x128xf32> -> vector<1000x128xf32>
    %get3A_59 = arith.constant 0 : index
    %get3A_60 = arith.constant 0 : index
    %get3A_61 = vector.load %arg13[%get3A_59, %get3A_60] : memref<1x128xf32, #tpu.memory_space<vmem>>, vector<1x128xf32>
    %add3A_62 = vector.broadcast %get3A_61 : vector<1x128xf32> to vector<1000x128xf32>
    %add3A_63 = arith.addf %dot_general3A_58, %add3A_62 : vector<1000x128xf32>
    %max3A_64 = arith.constant 0.000000e+00 : f32
    %max3A_65 = vector.broadcast %max3A_64 : f32 to vector<1000x128xf32>
    %max3A_66 = arith.maximumf %add3A_63, %max3A_65 : vector<1000x128xf32>
    %swap3A = arith.constant 0 : index
    %swap3A_67 = arith.constant 0 : index
    %swap3A_68 = vector.load %arg14[%swap3A, %swap3A_67] : memref<1000x128xf32, #tpu.memory_space<vmem>>, vector<1000x128xf32>
    tpu.vector_store %arg14[%swap3A, %swap3A_67], %max3A_66 {strides = array<i32>} : memref<1000x128xf32, #tpu.memory_space<vmem>>, vector<1000x128xf32>,
    %eq3A = arith.constant 0 : i32
    %eq3A_69 = arith.cmpi eq, %arg0, %eq3A : i32
    %convert_element_type3A = arith.extui %eq3A_69 : i1 to i32
    %cond3A = arith.constant 0 : i32
    %cond3A_70 = arith.cmpi ne, %convert_element_type3A, %cond3A : i32
    scf.if %cond3A_70 {
      %reduce_sum3A_92 = arith.constant dense<0.000000e+00> : vector<128xf32>
      %reduce_sum3A_93 = vector.multi_reduction <add>, %max3A_66, %reduce_sum3A_92 [0] : vector<1000x128xf32> to vector<128xf32>
      %broadcast_in_dim3A_94 = vector.shape_cast %reduce_sum3A_93 : vector<128xf32> to vector<1x128xf32>
      %mul3A_95 = arith.constant 1.000000e-03 : f32
      %mul3A_96 = vector.broadcast %mul3A_95 : f32 to vector<1x128xf32>
      %mul3A_97 = arith.mulf %broadcast_in_dim3A_94, %mul3A_96 : vector<1x128xf32>
      %swap3A_98 = arith.constant 2 : index
      %swap3A_99 = arith.constant 0 : index
      %swap3A_100 = vector.load %arg16[%swap3A_98, %swap3A_99] : memref<8x128xf32, #tpu.memory_space<vmem>>, vector<1x128xf32>
      tpu.vector_store %arg16[%swap3A_98, %swap3A_99], %mul3A_97 {strides = array<i32>} : memref<8x128xf32, #tpu.memory_space<vmem>>, vector<1x128xf32>,
      %broadcast_in_dim3A_101 = arith.constant 0.000000e+00 : f32
      %broadcast_in_dim3A_102 = vector.broadcast %broadcast_in_dim3A_101 : f32 to vector<2x128xf32>
      %swap3A_103 = arith.constant 0 : index
      %swap3A_104 = arith.constant 0 : index
      %swap3A_105 = vector.load %arg16[%swap3A_103, %swap3A_104] : memref<8x128xf32, #tpu.memory_space<vmem>>, vector<2x128xf32>
      tpu.vector_store %arg16[%swap3A_103, %swap3A_104], %broadcast_in_dim3A_102 {strides = array<i32>} : memref<8x128xf32, #tpu.memory_space<vmem>>, vector<2x128xf32>,
    } else {
    }
    %get3A_71 = arith.constant 2 : index
    %get3A_72 = arith.constant 0 : index
    %get3A_73 = vector.load %arg16[%get3A_71, %get3A_72] : memref<8x128xf32, #tpu.memory_space<vmem>>, vector<1x128xf32>
    %sub3A_74 = vector.broadcast %get3A_73 : vector<1x128xf32> to vector<1000x128xf32>
    %sub3A_75 = arith.subf %max3A_66, %sub3A_74 : vector<1000x128xf32>
    %reduce_sum3A = arith.constant dense<0.000000e+00> : vector<128xf32>
    %reduce_sum3A_76 = vector.multi_reduction <add>, %sub3A_75, %reduce_sum3A [0] : vector<1000x128xf32> to vector<128xf32>
    %broadcast_in_dim3A = vector.shape_cast %reduce_sum3A_76 : vector<128xf32> to vector<1x128xf32>
    %mul3A = arith.mulf %sub3A_75, %sub3A_75 : vector<1000x128xf32>
    %reduce_sum3A_77 = arith.constant dense<0.000000e+00> : vector<128xf32>
    %reduce_sum3A_78 = vector.multi_reduction <add>, %mul3A, %reduce_sum3A_77 [0] : vector<1000x128xf32> to vector<128xf32>
    %broadcast_in_dim3A_79 = vector.shape_cast %reduce_sum3A_78 : vector<128xf32> to vector<1x128xf32>
    %concatenate3A = tpu.concatenate %broadcast_in_dim3A, %broadcast_in_dim3A_79 in 0 : vector<1x128xf32>, vector<1x128xf32> -> vector<2x128xf32>
    %get3A_80 = arith.constant 0 : index
    %get3A_81 = arith.constant 0 : index
    %get3A_82 = vector.load %arg16[%get3A_80, %get3A_81] : memref<8x128xf32, #tpu.memory_space<vmem>>, vector<2x128xf32>
    %add3A_83 = arith.addf %get3A_82, %concatenate3A : vector<2x128xf32>
    %swap3A_84 = arith.constant 0 : index
    %swap3A_85 = arith.constant 0 : index
    %swap3A_86 = vector.load %arg16[%swap3A_84, %swap3A_85] : memref<8x128xf32, #tpu.memory_space<vmem>>, vector<2x128xf32>
    tpu.vector_store %arg16[%swap3A_84, %swap3A_85], %add3A_83 {strides = array<i32>} : memref<8x128xf32, #tpu.memory_space<vmem>>, vector<2x128xf32>,
    %eq3A_87 = arith.constant 9 : i32
    %eq3A_88 = arith.cmpi eq, %arg0, %eq3A_87 : i32
    %convert_element_type3A_89 = arith.extui %eq3A_88 : i1 to i32
    %cond3A_90 = arith.constant 0 : i32
    %cond3A_91 = arith.cmpi ne, %convert_element_type3A_89, %cond3A_90 : i32
    scf.if %cond3A_91 {
      %get3A_92 = arith.constant 0 : index
      %get3A_93 = arith.constant 0 : index
      %get3A_94 = vector.load %arg16[%get3A_92, %get3A_93] : memref<8x128xf32, #tpu.memory_space<vmem>>, vector<3x128xf32>
      %broadcast_in_dim3A_95 = arith.constant 0.000000e+00 : f32
      %broadcast_in_dim3A_96 = vector.broadcast %broadcast_in_dim3A_95 : f32 to vector<5x128xf32>
      %concatenate3A_97 = tpu.concatenate %get3A_94, %broadcast_in_dim3A_96 in 0 : vector<3x128xf32>, vector<5x128xf32> -> vector<8x128xf32>
      %swap3A_98 = arith.constant 0 : index
      %swap3A_99 = arith.constant 0 : index
      %swap3A_100 = vector.load %arg15[%swap3A_98, %swap3A_99] : memref<8x128xf32, #tpu.memory_space<vmem>>, vector<8x128xf32>
      tpu.vector_store %arg15[%swap3A_98, %swap3A_99], %concatenate3A_97 {strides = array<i32>} : memref<8x128xf32, #tpu.memory_space<vmem>>, vector<8x128xf32>,
    } else {
    }
    return
  }
  func.func @transform_0(%arg0: i32) -> (i32, i32) {
    %c0_i32 = arith.constant 0 : i32
    %c0_i32_0 = arith.constant 0 : i32
    return %arg0, %c0_i32 : i32, i32
  }
  func.func @transform_1(%arg0: i32) -> (i32, i32) {
    %c0_i32 = arith.constant 0 : i32
    %c0_i32_0 = arith.constant 0 : i32
    return %arg0, %c0_i32 : i32, i32
  }
  func.func @transform_2(%arg0: i32) -> (i32, i32) {
    %c0_i32 = arith.constant 0 : i32
    %c0_i32_0 = arith.constant 0 : i32
    return %arg0, %c0_i32 : i32, i32
  }
  func.func @transform_3(%arg0: i32) -> (i32, i32) {
    %c0_i32 = arith.constant 0 : i32
    %c0_i32_0 = arith.constant 0 : i32
    return %arg0, %c0_i32 : i32, i32
  }
  func.func @transform_4(%arg0: i32) -> (i32, i32) {
    %c0_i32 = arith.constant 0 : i32
    %c0_i32_0 = arith.constant 0 : i32
    %c0_i32_1 = arith.constant 0 : i32
    return %c0_i32, %c0_i32_0 : i32, i32
  }
  func.func @transform_5(%arg0: i32) -> (i32, i32) {
    %c0_i32 = arith.constant 0 : i32
    %c0_i32_0 = arith.constant 0 : i32
    %c0_i32_1 = arith.constant 0 : i32
    return %c0_i32, %c0_i32_0 : i32, i32
  }
  func.func @transform_6(%arg0: i32) -> (i32, i32) {
    %c0_i32 = arith.constant 0 : i32
    %c0_i32_0 = arith.constant 0 : i32
    %c0_i32_1 = arith.constant 0 : i32
    return %c0_i32, %c0_i32_0 : i32, i32
  }
  func.func @transform_7(%arg0: i32) -> (i32, i32) {
    %c0_i32 = arith.constant 0 : i32
    %c0_i32_0 = arith.constant 0 : i32
    %c0_i32_1 = arith.constant 0 : i32
    return %c0_i32, %c0_i32_0 : i32, i32
  }
  func.func @transform_8(%arg0: i32) -> (i32, i32) {
    %c0_i32 = arith.constant 0 : i32
    %c0_i32_0 = arith.constant 0 : i32
    %c0_i32_1 = arith.constant 0 : i32
    return %c0_i32, %c0_i32_0 : i32, i32
  }
  func.func @transform_9(%arg0: i32) -> (i32, i32) {
    %c0_i32 = arith.constant 0 : i32
    %c0_i32_0 = arith.constant 0 : i32
    %c0_i32_1 = arith.constant 0 : i32
    return %c0_i32, %c0_i32_0 : i32, i32
  }
  func.func @transform_10(%arg0: i32) -> (i32, i32) {
    %c0_i32 = arith.constant 0 : i32
    %c0_i32_0 = arith.constant 0 : i32
    %c0_i32_1 = arith.constant 0 : i32
    return %c0_i32, %c0_i32_0 : i32, i32
  }
  func.func @transform_11(%arg0: i32) -> (i32, i32) {
    %c0_i32 = arith.constant 0 : i32
    %c0_i32_0 = arith.constant 0 : i32
    %c0_i32_1 = arith.constant 0 : i32
    return %c0_i32, %c0_i32_0 : i32, i32
  }
  func.func @transform_12(%arg0: i32) -> (i32, i32) {
    %c0_i32 = arith.constant 0 : i32
    %c0_i32_0 = arith.constant 0 : i32
    %c0_i32_1 = arith.constant 0 : i32
    return %c0_i32, %c0_i32_0 : i32, i32
  }
  func.func @transform_13(%arg0: i32) -> (i32, i32) {
    %c0_i32 = arith.constant 0 : i32
    %c0_i32_0 = arith.constant 0 : i32
    return %arg0, %c0_i32 : i32, i32
  }
  func.func @transform_14(%arg0: i32) -> (i32, i32) {
    %c0_i32 = arith.constant 0 : i32
    %c0_i32_0 = arith.constant 0 : i32
    %c0_i32_1 = arith.constant 0 : i32
    return %c0_i32, %c0_i32_0 : i32, i32
  }
}

module attributes {stable_mosaic.version = 14 : i64} {
  func.func @_norm_body(%arg0: i32, %arg1: memref<1000x128xf32, #tpu.memory_space<vmem>>, %arg2: memref<8x128xf32, #tpu.memory_space<vmem>>, %arg3: memref<1x128xf32, #tpu.memory_space<vmem>>, %arg4: memref<1x128xf32, #tpu.memory_space<vmem>>, %arg5: memref<1000x128xf32, #tpu.memory_space<vmem>>) attributes {dimension_semantics = [#tpu.dimension_semantics<arbitrary>], iteration_bounds = array<i64: 10>, scalar_prefetch = 0 : i64, scratch_operands = 0 : i64, tpu.core_type = #tpu.core_type<tc>, window_params = [{transform_indices = @transform_0, window_bounds = array<i64: 1000, 128>}, {pipeline_mode = #tpu.pipeline_mode<synchronous>, transform_indices = @transform_1, window_bounds = array<i64: 8, 128>}, {pipeline_mode = #tpu.pipeline_mode<synchronous>, transform_indices = @transform_2, window_bounds = array<i64: 1, 128>}, {pipeline_mode = #tpu.pipeline_mode<synchronous>, transform_indices = @transform_3, window_bounds = array<i64: 1, 128>}, {transform_indices = @transform_4, window_bounds = array<i64: 1000, 128>}]} {
    %get3A = arith.constant 0 : index
    %get3A_0 = arith.constant 0 : index
    %get3A_1 = vector.load %arg2[%get3A, %get3A_0] : memref<8x128xf32, #tpu.memory_space<vmem>>, vector<8x128xf32>
    %slice3A = vector.extract_strided_slice %get3A_1 {offsets = [0, 0], sizes = [1, 128], strides = [1, 1]} : vector<8x128xf32> to vector<1x128xf32>
    %mul3A = arith.constant 9.99999974E-5 : f32
    %mul3A_2 = vector.broadcast %mul3A : f32 to vector<1x128xf32>
    %mul3A_3 = arith.mulf %slice3A, %mul3A_2 : vector<1x128xf32>
    %slice3A_4 = vector.extract_strided_slice %get3A_1 {offsets = [2, 0], sizes = [1, 128], strides = [1, 1]} : vector<8x128xf32> to vector<1x128xf32>
    %add3A = arith.addf %slice3A_4, %mul3A_3 : vector<1x128xf32>
    %slice3A_5 = vector.extract_strided_slice %get3A_1 {offsets = [1, 0], sizes = [1, 128], strides = [1, 1]} : vector<8x128xf32> to vector<1x128xf32>
    %mul3A_6 = arith.constant 9.99999974E-5 : f32
    %mul3A_7 = vector.broadcast %mul3A_6 : f32 to vector<1x128xf32>
    %mul3A_8 = arith.mulf %slice3A_5, %mul3A_7 : vector<1x128xf32>
    %mul3A_9 = arith.mulf %mul3A_3, %mul3A_3 : vector<1x128xf32>
    %sub3A = arith.subf %mul3A_8, %mul3A_9 : vector<1x128xf32>
    %add3A_10 = arith.constant 9.99999974E-6 : f32
    %add3A_11 = vector.broadcast %add3A_10 : f32 to vector<1x128xf32>
    %add3A_12 = arith.addf %sub3A, %add3A_11 : vector<1x128xf32>
    %rsqrt3A = math.rsqrt %add3A_12 : vector<1x128xf32>
    %get3A_13 = arith.constant 0 : index
    %get3A_14 = arith.constant 0 : index
    %get3A_15 = vector.load %arg1[%get3A_13, %get3A_14] : memref<1000x128xf32, #tpu.memory_space<vmem>>, vector<1000x128xf32>
    %sub3A_16 = vector.broadcast %add3A : vector<1x128xf32> to vector<1000x128xf32>
    %sub3A_17 = arith.subf %get3A_15, %sub3A_16 : vector<1000x128xf32>
    %get3A_18 = arith.constant 0 : index
    %get3A_19 = arith.constant 0 : index
    %get3A_20 = vector.load %arg3[%get3A_18, %get3A_19] : memref<1x128xf32, #tpu.memory_space<vmem>>, vector<1x128xf32>
    %mul3A_21 = arith.mulf %rsqrt3A, %get3A_20 : vector<1x128xf32>
    %mul3A_22 = vector.broadcast %mul3A_21 : vector<1x128xf32> to vector<1000x128xf32>
    %mul3A_23 = arith.mulf %sub3A_17, %mul3A_22 : vector<1000x128xf32>
    %get3A_24 = arith.constant 0 : index
    %get3A_25 = arith.constant 0 : index
    %get3A_26 = vector.load %arg4[%get3A_24, %get3A_25] : memref<1x128xf32, #tpu.memory_space<vmem>>, vector<1x128xf32>
    %add3A_27 = vector.broadcast %get3A_26 : vector<1x128xf32> to vector<1000x128xf32>
    %add3A_28 = arith.addf %mul3A_23, %add3A_27 : vector<1000x128xf32>
    %swap3A = arith.constant 0 : index
    %swap3A_29 = arith.constant 0 : index
    %swap3A_30 = vector.load %arg5[%swap3A, %swap3A_29] : memref<1000x128xf32, #tpu.memory_space<vmem>>, vector<1000x128xf32>
    tpu.vector_store %arg5[%swap3A, %swap3A_29], %add3A_28 {strides = array<i32>} : memref<1000x128xf32, #tpu.memory_space<vmem>>, vector<1000x128xf32>,
    return
  }
  func.func @transform_0(%arg0: i32) -> (i32, i32) {
    %c0_i32 = arith.constant 0 : i32
    %c0_i32_0 = arith.constant 0 : i32
    return %arg0, %c0_i32 : i32, i32
  }
  func.func @transform_1(%arg0: i32) -> (i32, i32) {
    %c0_i32 = arith.constant 0 : i32
    %c0_i32_0 = arith.constant 0 : i32
    %c0_i32_1 = arith.constant 0 : i32
    return %c0_i32, %c0_i32_0 : i32, i32
  }
  func.func @transform_2(%arg0: i32) -> (i32, i32) {
    %c0_i32 = arith.constant 0 : i32
    %c0_i32_0 = arith.constant 0 : i32
    %c0_i32_1 = arith.constant 0 : i32
    return %c0_i32, %c0_i32_0 : i32, i32
  }
  func.func @transform_3(%arg0: i32) -> (i32, i32) {
    %c0_i32 = arith.constant 0 : i32
    %c0_i32_0 = arith.constant 0 : i32
    %c0_i32_1 = arith.constant 0 : i32
    return %c0_i32, %c0_i32_0 : i32, i32
  }
  func.func @transform_4(%arg0: i32) -> (i32, i32) {
    %c0_i32 = arith.constant 0 : i32
    %c0_i32_0 = arith.constant 0 : i32
    return %arg0, %c0_i32 : i32, i32
  }
}

</mosaic_0001>

<sc_bundles>
// kernel: kernel.6.cloned.1.call-start
scs
__scs_entry_jumppad:
0x0: {  	(pc) =	sbr.rel $0x88, $3  }
0x1: {  	(tag) =	ssettag $0x0;
	lr =	simm.s32 $0x1  }
0x2: {  	[smem:$0x3F8E] =	sst lr;
	_ =	strace $0xD0000000  }
0x3: {  	_ = 	snop  }
0x4: {  	_ = 	snop  }
0x5: {  	_ = 	snop  }
0x6: {  	_ = 	snop  }
0x7: {  	_ = 	snop  }
__scs_overlays_trampoline_lowered:
0x8: {  	[smem:$0x3F9D] =	sst s0  }
0x9: {  	[smem:$0x3F9E] =	sst s1  }
0xa: {  	[smem:$0x3F9F] =	sst s2  }
0xb: {  	[smem:$0x3FA0] =	sst s3  }
0xc: {  	[smem:$0x3FA1] =	sst s4  }
0xd: {  	[smem:$0x3FA2] =	sst s5  }
0xe: {  	[smem:$0x3FA3] =	sst s6  }
0xf: {  	[smem:$0x3FA4] =	sst s7  }
0x10: {  	[smem:$0x3FA5] =	sst s8  }
0x11: {  	[smem:$0x3FA6] =	sst s9;
	s0 =	simm.s32 @!p0 $0x0  }
0x12: {  	s1 =	sld [smem:$0x3F8C];
	s0 =	simm.s32 @p0 $0x1  }
0x13: {  	[smem:$0x3FA7] =	sst s0;
	s0 =	simm.s32 @!p1 $0x0  }
0x14: {  	s2 =	sld [smem:$0x3F8B];
	s0 =	simm.s32 @p1 $0x1  }
0x15: {  	[smem:$0x3FA8] =	sst s0;
	s0 =	simm.s32 @!p2 $0x0  }
0x16: {  	s3 =	sld [smem:$0x3FDB];
	s0 =	simm.s32 @p2 $0x1  }
0x17: {  	s4 =	simm.s32 $0x1BF5;
	[smem:$0x3FAA] =	sst s0  }
0x18: {  	s0 =	sld [smem:$0x3F8D];
	_ =	swait.ge [sflag:s4], $0x0  }
0x19: {  	s7 =	sld [smem:$0x3F8E]  }
0x1a: {  	s8 =	sadd.s32 $0xFFFFE003, lr  }
0x1b: {  	s9 =	sadd.s32 $0xFFFFFEF7, lr;
	s5 =	simm.s32 $0xFFFFFFFF;
	p2 =	slt.u32 s8, $0xFFFFF086  }
0x1c: {  	p1 =	slt.u32 s9, $0xF7A;
	s5 =	simm.s32 @!p2 $0x0  }
0x1d: {  	s5 =	simm.s32 @p1 $0x1;
	p0 =	seq.s32 s7, s2  }
0x1e: {  	s7 =	smul.u32 @!p0 $0xF7A, s2;
	p2 =	seq.s32 @!p0 s5, $0x0  }
0x1f: {  	s9 =	smul.u32 $0xF7A, s1;
	s8 =	simm.s32 @!p0 $0x1BF5;
	p2 =	por !p2, p0  }
0x20: {  	[sflag:s8] =	ssyncset.s32 @!p0 $0xFFFFF086;
	s6 =	sadd.s32 @!p0 s3, s7;
	s7 =	simm.s32 @!p0 $0x108  }
0x21: {  	s3 =	sadd.s32 s3, s9;
	s6 =	sadd.s32 @!p0 $0x88, s6;
	s7 =	simm.s32 @p2 $0x1082  }
0x22: {  	[simem:s7], [sflag:s8] =	dma.local @!p0 [hbm:s6], $0xF7A  }
0x23: {  	s9 =	sor.u32 $0xD0000000, s2;
	s6 =	simm.s32 $0x108;
	_ =	swait.ge @!p0 [sflag:s8], $0x0  }
0x24: {  	s3 =	sadd.s32 $0x88, s3;
	s6 =	simm.s32 @!p1 $0x1082;
	[sflag:s4] =	ssyncset.s32 $0xFFFFF086  }
0x25: {  	[simem:s6], [sflag:s4] =	dma.local [hbm:s3], $0xF7A  }
0x26: {  	[smem:$0x3F8E] =	sst s1;
	(tag) =	ssettag s2;
	_ =	strace s9  }
0x27: {  	s1 =	sld [smem:$0x3F9E]  }
0x28: {  	s2 =	sld [smem:$0x3F9F]  }
0x29: {  	s4 =	sld [smem:$0x3FA1]  }
0x2a: {  	p0 =	seq.s32 s5, $0x0;
	s5 =	sld [smem:$0x3FA2]  }
0x2b: {  	s6 =	sld [smem:$0x3FA3]  }
0x2c: {  	s7 =	sld [smem:$0x3FA4]  }
0x2d: {  	s3 =	simm.s32 $0x108;
	s8 =	sld [smem:$0x3FA5]  }
0x2e: {  	s3 =	simm.s32 @!p0 $0x1082;
	s9 =	sld [smem:$0x3FA6]  }
0x2f: {  	lr =	sadd.s32 s0, s3;
	s0 =	sld [smem:$0x3F9D]  }
0x30: {  	s3 =	sld [smem:$0x3FA0]  }
0x31: {  	[smem:$0x3FA9] =	sst s10  }
0x32: {  	s10 =	sld [smem:$0x3FA7];
	_ =	sdelay $0x3  }
0x33: {  	p0 =	seq.s32 s10, $0x1;
	s10 =	sld [smem:$0x3FA9];
	_ =	sdelay $0x3  }
0x34: {  	[smem:$0x3FA9] =	sst s10  }
0x35: {  	s10 =	sld [smem:$0x3FA8];
	_ =	sdelay $0x3  }
0x36: {  	p1 =	seq.s32 s10, $0x1;
	s10 =	sld [smem:$0x3FA9];
	_ =	sdelay $0x3  }
0x37: {  	[smem:$0x3FA9] =	sst s10  }
0x38: {  	s10 =	sld [smem:$0x3FAA]  }
0x39: {  	_ = 	snop;
	(pc) =	sbr.ind lr, $3  }
0x3a: {  	_ = 	snop  }
0x3b: {  	_ = 	snop  }
0x3c: {  	p2 =	seq.s32 s10, $0x1;
	s10 =	sld [smem:$0x3FA9]  }
0x3d: {  	_ =	shalt  }
0x3e: {  	_ =	shalt  }
0x3f: {  	_ =	shalt  }
0x40: {  	_ =	shalt  }
0x41: {  	_ =	shalt  }
0x42: {  	_ =	shalt  }
0x43: {  	_ =	shalt  }
0x44: {  	_ =	shalt  }
0x45: {  	_ =	shalt  }
0x46: {  	_ =	shalt  }
0x47: {  	_ =	shalt  }
0x48: {  	_ =	shalt  }
0x49: {  	_ =	shalt  }
0x4a: {  	_ =	shalt  }
0x4b: {  	_ =	shalt  }
0x4c: {  	_ =	shalt  }
0x4d: {  	_ =	shalt  }
0x4e: {  	_ =	shalt  }
0x4f: {  	_ =	shalt  }
0x50: {  	_ =	shalt  }
0x51: {  	_ =	shalt  }
0x52: {  	_ =	shalt  }
0x53: {  	_ =	shalt  }
0x54: {  	_ =	shalt  }
0x55: {  	_ =	shalt  }
0x56: {  	_ =	shalt  }
0x57: {  	_ =	shalt  }
0x58: {  	_ =	shalt  }
0x59: {  	_ =	shalt  }
0x5a: {  	_ =	shalt  }
0x5b: {  	_ =	shalt  }
0x5c: {  	_ =	shalt  }
0x5d: {  	_ =	shalt  }
0x5e: {  	_ =	shalt  }
0x5f: {  	_ =	shalt  }
0x60: {  	_ =	shalt  }
0x61: {  	_ =	shalt  }
0x62: {  	_ =	shalt  }
0x63: {  	_ =	shalt  }
0x64: {  	_ =	shalt  }
0x65: {  	_ =	shalt  }
0x66: {  	_ =	shalt  }
0x67: {  	_ =	shalt  }
0x68: {  	_ =	shalt  }
0x69: {  	_ =	shalt  }
0x6a: {  	_ =	shalt  }
0x6b: {  	_ =	shalt  }
0x6c: {  	_ =	shalt  }
0x6d: {  	_ =	shalt  }
0x6e: {  	_ =	shalt  }
0x6f: {  	_ =	shalt  }
0x70: {  	_ =	shalt  }
0x71: {  	_ =	shalt  }
0x72: {  	_ =	shalt  }
0x73: {  	_ =	shalt  }
0x74: {  	_ =	shalt  }
0x75: {  	_ =	shalt  }
0x76: {  	_ =	shalt  }
0x77: {  	_ =	shalt  }
0x78: {  	_ =	shalt  }
0x79: {  	_ =	shalt  }
0x7a: {  	_ =	shalt  }
0x7b: {  	_ =	shalt  }
0x7c: {  	_ =	shalt  }
0x7d: {  	_ =	shalt  }
0x7e: {  	_ =	shalt  }
0x7f: {  	_ =	shalt  }
0x80: {  	_ =	shalt  }
0x81: {  	_ =	shalt  }
0x82: {  	_ =	shalt  }
0x83: {  	_ =	shalt  }
0x84: {  	_ =	shalt  }
0x85: {  	_ =	shalt  }
0x86: {  	_ =	shalt  }
0x87: {  	_ =	shalt  }
.Lfunc_end0:
.L_simem_size_0:
called_computation_lowered:
.L_overlay_start_0:
0x88: {  	s2 =	sld [smem:$0x3FD9]  }
0x89: {  	s3 =	sld [smem:$0x3FFE];
	_ =	sdelay $0x1  }
0x8a: {  	s1 =	srdreg.scid  }
0x8b: {  	s0 =	sand.u32 $0x1, s1  }
0x8c: {  	s16 =	sshll.u32 s0, $0xA;
	s2 =	sadd.s32 s3, s2  }
0x8d: {  	s2 =	sadd.s32 s2, s16  }
0x8e: {  	[smem:$0x3FB5] =	sst s2  }
0x8f: {  	_ = 	snop  }
0x90: {  	(tm) =	ssettm $0x1  }
0x91: {  	s17 =	sld [smem:$0x3FFB];
	_ =	sdelay $0x3  }
0x92: {  	_ =	strace s17  }
0x93: {  	s2 =	sld [smem:$0x3FFC];
	_ =	sdelay $0x3  }
0x94: {  	_ =	strace s2  }
0x95: {  	s2 =	sld [smem:$0x3FFD];
	_ =	sdelay $0x3  }
0x96: {  	_ =	strace s2  }
0x97: {  	_ =	strace $0x8FFFFFFF  }
0x98: {  	s18 =	sld [smem:$0x3FDB];
	_ =	sdelay $0x1  }
0x99: {  	s19 =	simm.s32 $_scs_section_size  }
0x9a: {  	s4 =	simm.s32 $_size__tile_overlayer_lowered;
	s5 =	simm.s32 $_tile_overlayer_lowered  }
0x9b: {  	s22 =	simm.s32 $0x1BFF;
	s21 =	sshll.u32 s5, $0x1;
	s2 =	sadd.s32 s19, s18  }
0x9c: {  	s6 =	simm.s32 $0x0;
	s20 =	sshll.u32 s4, $0x1;
	s4 =	sadd.s32 s21, s2  }
0x9d: {  	[timem:s6], [sflag:s22] =	dma.local [hbm:s4], s20  }
0x9e: {  	_ =	swait.ge [sflag:s22], s20  }
0x9f: {  	s3 =	ssub.s32 $0x0, s20;
	[sflag:s22] =	ssyncset.done $0x0  }
0xa0: {  	[sflag:s22] =	ssyncadd.s32 s3;
	_ =	sdelay $0x1  }
0xa1: {  	s23 =	simm.s32 $0x1B8B  }
0xa2: {  	_ =	swait.ge [sflag:s23], $0x1  }
0xa3: {  	[sflag:s23] =	ssyncset.done $0x0  }
0xa4: {  	s25 =	simm.s32 $0x1B8E;
	s24 =	sld [smem:$0x3FFE];
	[sflag:s23] =	ssyncadd.s32 $0xFFFFFFFF  }
0xa5: {  	s26 =	simm.s32 $execute0_lowered;
	[smem:$0x3FD2] =	sst s25  }
0xa6: {  	s4 =	sshll.u32 s26, $0x1;
	_ =	strace $0x80000046;
	[dreg:$0x1] =	wrdreg $0xFFFFFFFF  }
0xa7: {  	s28 =	simm.s32 $_size_execute0_lowered;
	s2 =	sadd.s32 s2, s4;
	[dreg:$0x0] =	wrdreg $0x0  }
0xa8: {  	s4 =	sshll.u32 s28, $0x1;
	[dreg:$0x2] =	wrdreg s2  }
0xa9: {  	[dreg:$0x3] =	wrdreg s4  }
0xaa: {  	[dreg:$0x4] =	wrdreg $0xC0  }
0xab: {  	_ =	task [dreg:s6], $0x5FFFF  }
0xac: {  	[dreg:$0x1] =	wrdreg $0xFFFFFFFF  }
0xad: {  	[dreg:$0x0] =	wrdreg $0x60  }
0xae: {  	[dreg:$0x2] =	wrdreg s24  }
0xaf: {  	[dreg:$0x3] =	wrdreg $0xA8000  }
0xb0: {  	[dreg:$0x4] =	wrdreg $0x9  }
0xb1: {  	_ =	task.clear_ibuf [dreg:s6], $0x5FFFF;
	_ =	strace $0x90000046  }
0xb2: {  	s29 =	simm.s32 $0x9;
	_ =	strace $0x80000048  }
0xb3: {  	_ =	swait.ge [sflag:s29], $0x1  }
0xb4: {  	[sflag:s29] =	ssyncadd.s32 $0xFFFFFFFF  }
0xb5: {  	_ =	strace $0x90000048  }
0xb6: {  	_ =	sfence  }
0xb7: {  	s30 =	sld [smem:$0x0];
	_ =	sdelay $0x2  }
0xb8: {  	s31 =	sshll.u32 s1, $0xD;
	s1 =	sshrl.u32 s1, $0x2  }
0xb9: {  	s3 =	sand.u32 $0x4000, s31;
	s1 =	sadd.s32 s1, s30  }
0xba: {  	s0 =	sor.u32 s3, s0;
	s1 =	sshll.u32 s1, $0x11  }
0xbb: {  	s0 =	sor.u32 s1, s0  }
0xbc: {  	s0 =	sadd.s32 $0x8F2B, s0  }
0xbd: {  	[sflag:s0] =	ssyncadd.remote.s32 $0x1  }
0xbe: {  	_ =	sfence.sel $0xFFFF  }
0xbf: {  	[dreg:$0x0] =	wrdreg $0xFFFFFFFF;
	(pc) =	sbr.abs _section_cstart, $3  }
0xc0: {  	[dreg:$0x1] =	wrdreg $0xFFFFFFFF  }
0xc1: {  	_ =	task.clear_ibuf [dreg:s6], $0x2FFFF;
	_ =	strace $0x9FFFFFFF  }
0xc2: {  	(tm) =	ssettm $0x7FFFFFFF  }
0xc3: {  	_ =	shalt  }
tec
execute0_lowered:
.L_overlay_start_1:
0x0: {  	(tag) =	ssettag $0x1  }
0x1: {  	s1 =	srdreg.scid  }
0x2: {  	s0 =	stileid.u32;
	s6 =	rddreg [dreg:$0x0]  }
0x3: {  	s2 =	rddreg [dreg:$0x1];
	s3 =	simm.s32 $0x0;
	s15 =	simm.s32 $0x1400  }
0x4: {  	s16 =	simm.s32 $0x80;
	s17 =	simm.s32 $0x2800;
	s18 =	simm.s32 $0x6800  }
0x5: {  	s19 =	simm.s32 $0x1;
	s20 =	simm.s32 $0x3;
	s21 =	simm.s32 $0x100  }
0x6: {  	s22 =	simm.s32 $0x2;
	s28 =	simm.s32 $0x2780;
	s29 =	simm.s32 $0x0  }
0x7: {  	s5 =	sand.u32 $0x1, s1;
	s23 =	sshll.u32 s0, $0x1;
	s8 =	smul.u32 $0x14000, s0  }
0x8: {  	[smem:$0x7FF] =	sst s3;
	s4 =	sadd.s32 $0x18800, s6;
	s10 =	smul.u32 $0x50000, s0  }
0x9: {  	s31 =	sshll.u32 s0, $0x6;
	s1 =	sor.u32 s5, s23;
	s9 =	smul.u32 $0x140000, s5  }
0xa: {  	_ =	strace $0x80000047;
	s5 =	ssub.s32 $0x2, s5;
	s23 =	simm.s32 $0x1480  }
0xb: {  	s7 =	smul.u32 $0x2800, s1;
	s25 =	sshrl.u32 s5, $0x1;
	s26 =	sshrl.u32 s10, $0x2  }
0xc: {  	s30 =	sshrl.u32 s8, $0x3;
	s9 =	sadd.s32 s8, s9;
	s13 =	ssub.s32 s5, s25  }
0xd: {  	s14 =	sadd.s32 s26, s2;
	s5 =	sadd.s32 s4, s30;
	s25 =	simm.s32 $0x1380  }
0xe: {  	s26 =	simm.s32 $0x2700;
	s7 =	sshrl.u32 s7, $0x3;
	s24 =	sshrl.u32 s9, $0x3  }
0xf: {  	s11 =	sadd.s32 s7, s6;
	s12 =	sadd.s32 s24, s6;
	s6 =	sor.u32 $0x1C05, s31  }
0x10: {  	s24 =	simm.s32 $0x4;
	s7 =	sadd.s32 $0x4800, s11;
	s8 =	sadd.s32 $0xE800, s11  }
0x11: {  	s9 =	sadd.s32 $0x4A80, s11;
	s10 =	sadd.s32 $0xEA80, s11;
	s11 =	sadd.s32 $0x40800, s12  }
0x12: {  	s12 =	smax.u32 s13, $0x1;
	s13 =	sshrl.u32 s14, $0x3;
	s14 =	simm.s32 $0x5  }
.LBB2_1:
0x13: {  	[spmem:s13], [sflag:s6] =	dma.local [hbm:s5], $0x2800  }
0x14: {  	_ =	swait.ge [sflag:s14], $0x2800  }
0x15: {  	[sflag:s14] =	ssyncset.done $0x0  }
0x16: {  	[sflag:s14] =	ssyncadd.s32 $0xFFFFD800  }
0x17: {  	[bflag:$0x0] =	sbarrier.arrive $0xFFFF  }
0x18: {  	[tilespmem:s3], [sflag:$0x5] =	stream.linear.gather [hbm4b:s7+s3], $0x1400, $0x38;
	[tilespmem:$0x1E800] =	vst v63  }
0x19: {  	_ =	swait.ge [sflag:s14], $0x1400  }
0x1a: {  	[sflag:s14] =	ssyncset.done $0x0  }
0x1b: {  	[sflag:s14] =	ssyncadd.s32 $0xFFFFEC00  }
0x1c: {  	[tilespmem:s15], [sflag:$0x5] =	stream.linear.gather [hbm4b:s8+s3], $0x1400, $0x38;
	[tilespmem:$0x1E800] =	vst v63  }
0x1d: {  	_ =	swait.ge [sflag:s14], $0x1400  }
0x1e: {  	[sflag:s14] =	ssyncset.done $0x0  }
0x1f: {  	[sflag:s14] =	ssyncadd.s32 $0xFFFFEC00  }
0x20: {  	[tilespmem:s17], [sflag:$0x1] =	stream.indirect.gather [hbm4b:s4+s16], $0x80, s3, s16, $0xb8;
	[tilespmem:$0x1E800] =	vst v63  }
0x21: {  	_ = 	snop  }
0x22: {  	[tilespmem:s18], [sflag:$0x2] =	stream.indirect.gather [hbm4b:s4+s16], $0x80, s16, s16, $0xb8;
	[tilespmem:$0x1E800] =	vst v63  }
0x23: {  	_ =	swait.ge [sflag:s19], $0x4000  }
0x24: {  	[sflag:s19] =	ssyncset.done $0x0  }
0x25: {  	[sflag:s19] =	ssyncadd.s32 $0xFFFFC000  }
0x26: {  	[spmem:s2] =	stream.indirect.scatter.add.f32 [tilespmem:s17], [sflag:$0x3], $0x80, s15, s16, $0xb8;
	[tilespmem:$0x1E800] =	vst v63  }
0x27: {  	_ =	swait.ge [sflag:s20], $0x4000  }
0x28: {  	[sflag:s20] =	ssyncset.done $0x0  }
0x29: {  	[sflag:s20] =	ssyncadd.s32 $0xFFFFC000  }
0x2a: {  	[tilespmem:s17], [sflag:$0x1] =	stream.indirect.gather [hbm4b:s4+s16], $0x80, s21, s16, $0xb8;
	[tilespmem:$0x1E800] =	vst v63  }
0x2b: {  	_ =	swait.ge [sflag:s22], $0x4000  }
0x2c: {  	[sflag:s22] =	ssyncset.done $0x0  }
0x2d: {  	[sflag:s22] =	ssyncadd.s32 $0xFFFFC000  }
0x2e: {  	[spmem:s2] =	stream.indirect.scatter.add.f32 [tilespmem:s18], [sflag:$0x4], $0x80, s23, s16, $0xb8;
	[tilespmem:$0x1E800] =	vst v63  }
0x2f: {  	_ =	swait.ge [sflag:s24], $0x4000  }
0x30: {  	[sflag:s24] =	ssyncset.done $0x0  }
0x31: {  	s30 =	simm.s32 $0x180;
	[sflag:s24] =	ssyncadd.s32 $0xFFFFC000  }
0x32: {  	[tilespmem:s18], [sflag:$0x2] =	stream.indirect.gather [hbm4b:s4+s16], $0x80, s30, s16, $0xb8;
	[tilespmem:$0x1E800] =	vst v63  }
0x33: {  	_ =	swait.ge [sflag:s19], $0x4000  }
0x34: {  	[sflag:s19] =	ssyncset.done $0x0  }
0x35: {  	s30 =	simm.s32 $0x1500;
	[sflag:s19] =	ssyncadd.s32 $0xFFFFC000  }
0x36: {  	[spmem:s2] =	stream.indirect.scatter.add.f32 [tilespmem:s17], [sflag:$0x3], $0x80, s30, s16, $0xb8;
	[tilespmem:$0x1E800] =	vst v63  }
0x37: {  	_ =	swait.ge [sflag:s20], $0x4000  }
0x38: {  	[sflag:s20] =	ssyncset.done $0x0  }
0x39: {  	s30 =	simm.s32 $0x200;
	[sflag:s20] =	ssyncadd.s32 $0xFFFFC000  }
0x3a: {  	[tilespmem:s17], [sflag:$0x1] =	stream.indirect.gather [hbm4b:s4+s16], $0x80, s30, s16, $0xb8;
	[tilespmem:$0x1E800] =	vst v63  }
0x3b: {  	_ =	swait.ge [sflag:s22], $0x4000  }
0x3c: {  	[sflag:s22] =	ssyncset.done $0x0  }
0x3d: {  	s31 =	simm.s32 $0x1580;
	s30 =	simm.s32 $0xFFFFBC00;
	[sflag:s22] =	ssyncadd.s32 $0xFFFFC000  }
.LBB2_2:
0x3e: {  	[spmem:s2] =	stream.indirect.scatter.add.f32 [tilespmem:s18], [sflag:$0x4], $0x80, s31, s16, $0xb8;
	[tilespmem:$0x1E800] =	vst v63  }
0x3f: {  	s31 =	smov.u32 s30  }
0x40: {  	p0 =	sne.s32 s30, $0xFFFFFC00;
	s30 =	sadd.s32 $0x400, s30;
	_ =	swait.ge [sflag:s24], $0x4000  }
0x41: {  	s31 =	sshra.s32 s31, $0x2;
	[sflag:s24] =	ssyncset.done $0x0  }
0x42: {  	s1 =	sadd.s32 $0x1380, s31;
	[sflag:s24] =	ssyncadd.s32 $0xFFFFC000  }
0x43: {  	[tilespmem:s18], [sflag:$0x2] =	stream.indirect.gather [hbm4b:s4+s16], $0x80, s1, s16, $0xb8;
	[tilespmem:$0x1E800] =	vst v63  }
0x44: {  	_ =	swait.ge [sflag:s19], $0x4000  }
0x45: {  	[sflag:s19] =	ssyncset.done $0x0  }
0x46: {  	s1 =	sadd.s32 $0x2700, s31;
	[sflag:s19] =	ssyncadd.s32 $0xFFFFC000  }
0x47: {  	[spmem:s2] =	stream.indirect.scatter.add.f32 [tilespmem:s17], [sflag:$0x3], $0x80, s1, s16, $0xb8;
	[tilespmem:$0x1E800] =	vst v63  }
0x48: {  	_ =	swait.ge [sflag:s20], $0x4000  }
0x49: {  	[sflag:s20] =	ssyncset.done $0x0  }
.Ltmp0:
0x4a: {  	s1 =	sadd.s32 $0x1400, s31;
	[sflag:s20] =	ssyncadd.s32 $0xFFFFC000;
	(pc) =	sbr.rel @p0 .LBB2_2-.Ltmp0, $4  }
0x4b: {  	[tilespmem:s17], [sflag:$0x1] =	stream.indirect.gather [hbm4b:s4+s16], $0x80, s1, s16, $0xb8;
	[tilespmem:$0x1E800] =	vst v63  }
0x4c: {  	_ =	swait.ge [sflag:s22], $0x4000  }
0x4d: {  	[sflag:s22] =	ssyncset.done $0x0  }
0x4e: {  	s31 =	sadd.s32 $0x2780, s31;
	[sflag:s22] =	ssyncadd.s32 $0xFFFFC000  }
0x4f: {  	[spmem:s2] =	stream.indirect.scatter.add.f32 [tilespmem:s18], [sflag:$0x4], $0x80, s31, s16, $0xb8;
	[tilespmem:$0x1E800] =	vst v63  }
0x50: {  	_ =	swait.ge [sflag:s24], $0x4000  }
0x51: {  	[sflag:s24] =	ssyncset.done $0x0  }
0x52: {  	[sflag:s24] =	ssyncadd.s32 $0xFFFFC000  }
0x53: {  	[tilespmem:s18], [sflag:$0x2] =	stream.indirect.gather [hbm4b:s4+s16], $0x80, s25, s16, $0xb8;
	[tilespmem:$0x1E800] =	vst v63  }
0x54: {  	_ =	swait.ge [sflag:s19], $0x4000  }
0x55: {  	[sflag:s19] =	ssyncset.done $0x0  }
0x56: {  	[sflag:s19] =	ssyncadd.s32 $0xFFFFC000  }
0x57: {  	[spmem:s2] =	stream.indirect.scatter.add.f32 [tilespmem:s17], [sflag:$0x3], $0x80, s26, s16, $0xb8;
	[tilespmem:$0x1E800] =	vst v63  }
0x58: {  	_ =	swait.ge [sflag:s20], $0x4000  }
0x59: {  	[sflag:s20] =	ssyncset.done $0x0  }
0x5a: {  	[sflag:s20] =	ssyncadd.s32 $0xFFFFC000  }
0x5b: {  	_ =	swait.ge [sflag:s22], $0x4000  }
0x5c: {  	[sflag:s22] =	ssyncset.done $0x0  }
0x5d: {  	[sflag:s22] =	ssyncadd.s32 $0xFFFFC000  }
0x5e: {  	[spmem:s2] =	stream.indirect.scatter.add.f32 [tilespmem:s18], [sflag:$0x4], $0x80, s28, s16, $0xb8;
	[tilespmem:$0x1E800] =	vst v63  }
0x5f: {  	_ =	swait.ge [sflag:s24], $0x4000  }
0x60: {  	[sflag:s24] =	ssyncset.done $0x0  }
0x61: {  	[sflag:s24] =	ssyncadd.s32 $0xFFFFC000  }
0x62: {  	[tilespmem:s3], [sflag:$0x5] =	stream.linear.gather [hbm4b:s9+s3], $0x1400, $0x38;
	[tilespmem:$0x1E800] =	vst v63  }
0x63: {  	_ =	swait.ge [sflag:s14], $0x1400  }
0x64: {  	[sflag:s14] =	ssyncset.done $0x0  }
0x65: {  	[sflag:s14] =	ssyncadd.s32 $0xFFFFEC00  }
0x66: {  	[tilespmem:s15], [sflag:$0x5] =	stream.linear.gather [hbm4b:s10+s3], $0x1400, $0x38;
	[tilespmem:$0x1E800] =	vst v63  }
0x67: {  	_ =	swait.ge [sflag:s14], $0x1400  }
0x68: {  	[sflag:s14] =	ssyncset.done $0x0  }
0x69: {  	[sflag:s14] =	ssyncadd.s32 $0xFFFFEC00  }
0x6a: {  	[tilespmem:s17], [sflag:$0x1] =	stream.indirect.gather [hbm4b:s4+s16], $0x80, s3, s16, $0xb8;
	[tilespmem:$0x1E800] =	vst v63  }
0x6b: {  	_ = 	snop  }
0x6c: {  	[tilespmem:s18], [sflag:$0x2] =	stream.indirect.gather [hbm4b:s4+s16], $0x80, s16, s16, $0xb8;
	[tilespmem:$0x1E800] =	vst v63  }
0x6d: {  	_ =	swait.ge [sflag:s19], $0x4000  }
0x6e: {  	[sflag:s19] =	ssyncset.done $0x0  }
0x6f: {  	[sflag:s19] =	ssyncadd.s32 $0xFFFFC000  }
0x70: {  	[spmem:s2] =	stream.indirect.scatter.add.f32 [tilespmem:s17], [sflag:$0x3], $0x80, s15, s16, $0xb8;
	[tilespmem:$0x1E800] =	vst v63  }
0x71: {  	_ =	swait.ge [sflag:s20], $0x4000  }
0x72: {  	[sflag:s20] =	ssyncset.done $0x0  }
0x73: {  	[sflag:s20] =	ssyncadd.s32 $0xFFFFC000  }
0x74: {  	[tilespmem:s17], [sflag:$0x1] =	stream.indirect.gather [hbm4b:s4+s16], $0x80, s21, s16, $0xb8;
	[tilespmem:$0x1E800] =	vst v63  }
0x75: {  	_ =	swait.ge [sflag:s22], $0x4000  }
0x76: {  	[sflag:s22] =	ssyncset.done $0x0  }
0x77: {  	[sflag:s22] =	ssyncadd.s32 $0xFFFFC000  }
0x78: {  	[spmem:s2] =	stream.indirect.scatter.add.f32 [tilespmem:s18], [sflag:$0x4], $0x80, s23, s16, $0xb8;
	[tilespmem:$0x1E800] =	vst v63  }
0x79: {  	_ =	swait.ge [sflag:s24], $0x4000  }
0x7a: {  	[sflag:s24] =	ssyncset.done $0x0  }
0x7b: {  	s1 =	simm.s32 $0x180;
	[sflag:s24] =	ssyncadd.s32 $0xFFFFC000  }
0x7c: {  	[tilespmem:s18], [sflag:$0x2] =	stream.indirect.gather [hbm4b:s4+s16], $0x80, s1, s16, $0xb8;
	[tilespmem:$0x1E800] =	vst v63  }
0x7d: {  	_ =	swait.ge [sflag:s19], $0x4000  }
0x7e: {  	[sflag:s19] =	ssyncset.done $0x0  }
0x7f: {  	s1 =	simm.s32 $0x1500;
	[sflag:s19] =	ssyncadd.s32 $0xFFFFC000  }
0x80: {  	[spmem:s2] =	stream.indirect.scatter.add.f32 [tilespmem:s17], [sflag:$0x3], $0x80, s1, s16, $0xb8;
	[tilespmem:$0x1E800] =	vst v63  }
0x81: {  	_ =	swait.ge [sflag:s20], $0x4000  }
0x82: {  	[sflag:s20] =	ssyncset.done $0x0  }
0x83: {  	s1 =	simm.s32 $0x200;
	[sflag:s20] =	ssyncadd.s32 $0xFFFFC000  }
0x84: {  	[tilespmem:s17], [sflag:$0x1] =	stream.indirect.gather [hbm4b:s4+s16], $0x80, s1, s16, $0xb8;
	[tilespmem:$0x1E800] =	vst v63  }
0x85: {  	_ =	swait.ge [sflag:s22], $0x4000  }
0x86: {  	[sflag:s22] =	ssyncset.done $0x0  }
0x87: {  	s30 =	simm.s32 $0xFFFFBC00;
	s31 =	simm.s32 $0x1580;
	[sflag:s22] =	ssyncadd.s32 $0xFFFFC000  }
.LBB2_4:
0x88: {  	[spmem:s2] =	stream.indirect.scatter.add.f32 [tilespmem:s18], [sflag:$0x4], $0x80, s31, s16, $0xb8;
	[tilespmem:$0x1E800] =	vst v63  }
0x89: {  	s1 =	smov.u32 s30  }
0x8a: {  	p0 =	sne.s32 s30, $0xFFFFFC00;
	s30 =	sadd.s32 $0x400, s30;
	_ =	swait.ge [sflag:s24], $0x4000  }
0x8b: {  	s1 =	sshra.s32 s1, $0x2;
	[sflag:s24] =	ssyncset.done $0x0  }
0x8c: {  	s31 =	sadd.s32 $0x1380, s1;
	[sflag:s24] =	ssyncadd.s32 $0xFFFFC000  }
0x8d: {  	[tilespmem:s18], [sflag:$0x2] =	stream.indirect.gather [hbm4b:s4+s16], $0x80, s31, s16, $0xb8;
	[tilespmem:$0x1E800] =	vst v63  }
0x8e: {  	_ =	swait.ge [sflag:s19], $0x4000  }
0x8f: {  	[sflag:s19] =	ssyncset.done $0x0  }
0x90: {  	s31 =	sadd.s32 $0x2700, s1;
	[sflag:s19] =	ssyncadd.s32 $0xFFFFC000  }
0x91: {  	[spmem:s2] =	stream.indirect.scatter.add.f32 [tilespmem:s17], [sflag:$0x3], $0x80, s31, s16, $0xb8;
	[tilespmem:$0x1E800] =	vst v63  }
0x92: {  	_ =	swait.ge [sflag:s20], $0x4000  }
0x93: {  	[sflag:s20] =	ssyncset.done $0x0  }
.Ltmp1:
0x94: {  	s31 =	sadd.s32 $0x1400, s1;
	[sflag:s20] =	ssyncadd.s32 $0xFFFFC000;
	(pc) =	sbr.rel @p0 .LBB2_4-.Ltmp1, $4  }
0x95: {  	[tilespmem:s17], [sflag:$0x1] =	stream.indirect.gather [hbm4b:s4+s16], $0x80, s31, s16, $0xb8;
	[tilespmem:$0x1E800] =	vst v63  }
0x96: {  	_ =	swait.ge [sflag:s22], $0x4000  }
0x97: {  	[sflag:s22] =	ssyncset.done $0x0  }
0x98: {  	s31 =	sadd.s32 $0x2780, s1;
	[sflag:s22] =	ssyncadd.s32 $0xFFFFC000  }
0x99: {  	[spmem:s2] =	stream.indirect.scatter.add.f32 [tilespmem:s18], [sflag:$0x4], $0x80, s31, s16, $0xb8;
	[tilespmem:$0x1E800] =	vst v63  }
0x9a: {  	_ =	swait.ge [sflag:s24], $0x4000  }
0x9b: {  	[sflag:s24] =	ssyncset.done $0x0  }
0x9c: {  	[sflag:s24] =	ssyncadd.s32 $0xFFFFC000  }
0x9d: {  	[tilespmem:s18], [sflag:$0x2] =	stream.indirect.gather [hbm4b:s4+s16], $0x80, s25, s16, $0xb8;
	[tilespmem:$0x1E800] =	vst v63  }
0x9e: {  	_ =	swait.ge [sflag:s19], $0x4000  }
0x9f: {  	[sflag:s19] =	ssyncset.done $0x0  }
0xa0: {  	[sflag:s19] =	ssyncadd.s32 $0xFFFFC000  }
0xa1: {  	[spmem:s2] =	stream.indirect.scatter.add.f32 [tilespmem:s17], [sflag:$0x3], $0x80, s26, s16, $0xb8;
	[tilespmem:$0x1E800] =	vst v63  }
0xa2: {  	_ =	swait.ge [sflag:s20], $0x4000  }
0xa3: {  	[sflag:s20] =	ssyncset.done $0x0  }
0xa4: {  	[sflag:s20] =	ssyncadd.s32 $0xFFFFC000  }
0xa5: {  	_ =	swait.ge [sflag:s22], $0x4000  }
0xa6: {  	[sflag:s22] =	ssyncset.done $0x0  }
0xa7: {  	[sflag:s22] =	ssyncadd.s32 $0xFFFFC000  }
0xa8: {  	[spmem:s2] =	stream.indirect.scatter.add.f32 [tilespmem:s18], [sflag:$0x4], $0x80, s28, s16, $0xb8;
	[tilespmem:$0x1E800] =	vst v63  }
0xa9: {  	_ =	swait.ge [sflag:s24], $0x4000  }
0xaa: {  	s29 =	sadd.s32 $0x1, s29;
	[sflag:s24] =	ssyncset.done $0x0  }
0xab: {  	p0 =	sne.s32 s29, s12;
	[sflag:s24] =	ssyncadd.s32 $0xFFFFC000  }
.Ltmp2:
0xac: {  	[bflag:$0x0] =	sbarrier.arrive $0xFFFF;
	(pc) =	sbr.rel @p0 .LBB2_1-.Ltmp2, $4  }
0xad: {  	[hbm:s11], [sflag:s6] =	dma.local [spmem:s13], $0x2800  }
0xae: {  	_ =	swait.ge [sflag:s14], $0x2800  }
0xaf: {  	[sflag:s14] =	ssyncset.done $0x0  }
0xb0: {  	[sflag:s14] =	ssyncadd.s32 $0xFFFFD800  }
0xb1: {  	_ =	sfence.sel $0x180000  }
0xb2: {  	[bflag:$0x0] =	sbarrier.arrive $0xFFFF  }
0xb3: {  	_ =	strace $0x90000047  }
0xb4: {  	[bflag:$0x2] =	sbarrier.arrive $0xFFFF  }
0xb5: {  	p0 =	sne.s32 s0, $0x0;
	s0 =	rddreg [dreg:$0x2]  }
0xb6: {  	s0 =	sadd.s32 @!p0 $0x100000, s0  }
0xb7: {  	[sflag:s0] =	ssyncadd.tile.s32 @!p0 $0x1;
	_ =	shalt  }
.Lfunc_end2:
_tile_overlayer_lowered:
.L_overlay_start_2:
0xb8: {  	(tag) =	ssettag $0x2  }
0xb9: {  	s0 =	rddreg [dreg:$0x0];
	s2 =	stileid.u32  }
0xba: {  	s1 =	rddreg [dreg:$0x1];
	p0 =	sne.s32 s2, $0x0  }
0xbb: {  	s3 =	rddreg [dreg:$0x2];
	[bflag:$0x3] =	sbarrier.arrive $0xFFFF;
	s2 =	simm.s32 @!p0 $0x1C05  }
0xbc: {  	[timem:s3], [sflag:s2] =	dma.local @!p0 [hbm:s0], s1  }
0xbd: {  	s0 =	simm.s32 @!p0 $0x5  }
0xbe: {  	_ =	swait.ge @!p0 [sflag:s0], s1  }
0xbf: {  	s1 =	ssub.s32 @!p0 $0x0, s1;
	[sflag:s0] =	ssyncset.done @!p0 $0x0  }
0xc0: {  	[sflag:s0] =	ssyncadd.s32 @!p0 s1  }
0xc1: {  	[bflag:$0x3] =	sbarrier.arrive $0xFFFF  }
0xc2: {  	_ =	shalt  }

</sc_bundles>
